<compile_context>
chip_gen: v7x
topology: tpu7x:2x2x1
jax: 0.10.2.dev20260603
libtpu: 0.0.44.dev20260713+nightly
codegen_flags: <defaults>
</compile_context>

<pallas_src>
import functools

import jax
import jax.numpy as jnp
from jax import lax
from jax.experimental import pallas as pl
from jax.experimental.pallas import tpu as pltpu
from jax.experimental.pallas import tpu_sc as plsc

N = 100000
E = 3200000
B = 128
NSC = 2
NSUB = 16
NW = NSC * NSUB
RT = 25088
RPW = RT // NW
EP = RT * B
NP = 100096
STRIPE = NP // NSUB
SK = 56
NSK = RPW // SK
K4 = 4
NG = SK // K4
NPAIR = NG // 2
DSK = 112
DNSK = RPW // DSK
DK = 16
DNG = DSK // DK

_DIMS = [21, 8, 16, 32, 64, 8]
_NB = 5000
_NGRID = N // _NB


def _chunking(f):
    fc = f if f < 16 else 16
    return f // fc, fc



def _sc_mesh():
    return plsc.VectorSubcoreMesh(core_axis_name="c", subcore_axis_name="s")


@functools.partial(jax.jit, static_argnums=(0, 1))
def _sc_scatter(nc, fc, hps, srcb, dstb, zeros):

    def body(*refs):
        hp_refs = refs[:nc]
        srcb_r, dstb_r, zeros_r, out_r = refs[nc:nc + 4]
        sidx, didx, vals, agg, gsem, ssem = refs[nc + 4:]
        cid = lax.axis_index("c")
        sid = lax.axis_index("s")
        wid = cid * NSUB + sid
        r0 = wid * RPW
        st = sid * STRIPE
        for c in range(nc):
            pltpu.sync_copy(zeros_r.at[pl.ds(st, STRIPE)],
                            agg.at[pl.ds(st, STRIPE)])
            plsc.subcore_barrier()

            def super_body(sk, _, c=c):
                row0 = r0 + sk * SK
                pltpu.sync_copy(srcb_r.at[pl.ds(row0, SK)], sidx)
                pltpu.sync_copy(dstb_r.at[pl.ds(row0, SK)], didx)

                def fire_gathers(s, j0):
                    for r in range(K4):
                        pltpu.async_copy(hp_refs[c].at[sidx.at[j0 + r]],
                                         vals.at[s, r], gsem)

                def drain_gathers(s):
                    for r in range(K4):
                        pltpu.make_async_copy(hp_refs[c].at[sidx.at[0]],
                                              vals.at[s, r], gsem).wait()

                def do_scatters(s, j0):
                    sds = [
                        pltpu.async_copy(vals.at[s, r],
                                         agg.at[didx.at[j0 + r]],
                                         ssem, add=True)
                        for r in range(K4)
                    ]
                    for sd in sds:
                        sd.wait()

                fire_gathers(0, 0)

                def pair_body(p, _):
                    j0 = 2 * p * K4
                    fire_gathers(1, j0 + K4)
                    drain_gathers(0)
                    do_scatters(0, j0)
                    fire_gathers(0, j0 + 2 * K4)
                    drain_gathers(1)
                    do_scatters(1, j0 + K4)
                    return 0

                lax.fori_loop(0, NPAIR - 1, pair_body, 0)
                j0 = (NG - 2) * K4
                fire_gathers(1, j0 + K4)
                drain_gathers(0)
                do_scatters(0, j0)
                drain_gathers(1)
                do_scatters(1, j0 + K4)
                return 0

            lax.fori_loop(0, NSK, super_body, 0)
            plsc.subcore_barrier()
            pltpu.sync_copy(agg.at[pl.ds(st, STRIPE)],
                            out_r.at[pl.ds(st, STRIPE),
                                     pl.ds(cid * 64 + c * fc, fc)])
            plsc.subcore_barrier()

    k = pl.kernel(
        body,
        out_type=jax.ShapeDtypeStruct((NP, 128), jnp.float32),
        mesh=_sc_mesh(),
        scratch_types=[
            pltpu.VMEM((SK, B), jnp.int32),
            pltpu.VMEM((SK, B), jnp.int32),
            pltpu.VMEM((2, K4, B, fc), jnp.float32),
            pltpu.VMEM_SHARED((NP, fc), jnp.float32),
            pltpu.SemaphoreType.DMA,
            pltpu.SemaphoreType.DMA,
        ],
        compiler_params=pltpu.CompilerParams(use_tc_tiling_on_sc=False),
    )
    return k(*hps, srcb, dstb, zeros)


@jax.jit
def _sc_degree(dstb, ones, zeros):

    def body(dstb_r, ones_r, zeros_r, out_r, didx, ones_v, agg, sem):
        cid = lax.axis_index("c")
        sid = lax.axis_index("s")
        wid = cid * NSUB + sid
        r0 = wid * RPW
        st = sid * STRIPE
        pltpu.sync_copy(ones_r, ones_v)
        pltpu.sync_copy(zeros_r.at[pl.ds(st, STRIPE)],
                        agg.at[pl.ds(st, STRIPE)])
        plsc.subcore_barrier()

        def super_body(sk, _):
            row0 = r0 + sk * DSK
            pltpu.sync_copy(dstb_r.at[pl.ds(row0, DSK)], didx)

            def group_body(g, _):
                j0 = g * DK
                sds = [
                    pltpu.async_copy(ones_v, agg.at[didx.at[j0 + r]],
                                     sem, add=True)
                    for r in range(DK)
                ]
                for sd in sds:
                    sd.wait()
                return 0

            return lax.fori_loop(0, DNG, group_body, 0)

        lax.fori_loop(0, DNSK, super_body, 0)
        plsc.subcore_barrier()
        pltpu.sync_copy(agg.at[pl.ds(st, STRIPE)],
                        out_r.at[pl.ds(st, STRIPE), pl.ds(cid * 8, 8)])

    k = pl.kernel(
        body,
        out_type=jax.ShapeDtypeStruct((NP, 128), jnp.float32),
        mesh=_sc_mesh(),
        scratch_types=[
            pltpu.VMEM((DSK, B), jnp.int32),
            pltpu.VMEM((B, 8), jnp.float32),
            pltpu.VMEM_SHARED((NP, 8), jnp.float32),
            pltpu.SemaphoreType.DMA,
        ],
        compiler_params=pltpu.CompilerParams(use_tc_tiling_on_sc=False),
    )
    return k(dstb, ones, zeros)



def _prep_body(deg_ref, out_ref):
    d = deg_ref[...]
    out_ref[...] = lax.rsqrt(d[:, 0:1] + d[:, 8:9] + 1.0)


@jax.jit
def _tc_prep(deg):
    return pl.pallas_call(
        _prep_body,
        grid=(_NGRID,),
        in_specs=[pl.BlockSpec((_NB, 128), lambda i: (i, 0))],
        out_specs=pl.BlockSpec((_NB, 1), lambda i: (i, 0)),
        out_shape=jax.ShapeDtypeStruct((N, 1), jnp.float32),
    )(deg)


def _small_matmul(x, w):
    return jnp.dot(x, w, preferred_element_type=jnp.float32,
                   precision=lax.Precision.HIGHEST)


def _mm_body(nc, fc, x_ref, w_ref, dinv_ref, *out_refs):
    h = _small_matmul(x_ref[...], w_ref[...]) * dinv_ref[...]
    for c in range(nc):
        out_refs[c][...] = h[:, c * fc:(c + 1) * fc]


@functools.partial(jax.jit, static_argnums=(0, 1))
def _tc_matmul(nc, fc, x, w, dinv):
    fin = x.shape[1]
    f = w.shape[1]
    return pl.pallas_call(
        functools.partial(_mm_body, nc, fc),
        grid=(_NGRID,),
        in_specs=[
            pl.BlockSpec((_NB, fin), lambda i: (i, 0)),
            pl.BlockSpec((fin, f), lambda i: (0, 0)),
            pl.BlockSpec((_NB, 1), lambda i: (i, 0)),
        ],
        out_specs=[pl.BlockSpec((_NB, fc), lambda i: (i, 0))] * nc,
        out_shape=[jax.ShapeDtypeStruct((N, fc), jnp.float32)] * nc,
    )(x, w, dinv)


def _fuse_body(ncl, fcl, ncn, fcn, agg_ref, *refs):
    hp_refs = refs[:ncl]
    dinv_ref, b_ref, w_ref = refs[ncl:ncl + 3]
    out_refs = refs[ncl + 3:]
    dinv = dinv_ref[...]
    b = b_ref[...]
    a = agg_ref[...]
    parts = [
        dinv * (a[:, c * fcl:(c + 1) * fcl]
                + a[:, 64 + c * fcl:64 + (c + 1) * fcl]
                + hp_refs[c][...])
        + b[:, c * fcl:(c + 1) * fcl]
        for c in range(ncl)
    ]
    x = parts[0] if ncl == 1 else jnp.concatenate(parts, axis=1)
    x = jnp.maximum(x, 0.0)
    h = _small_matmul(x, w_ref[...]) * dinv
    for c in range(ncn):
        out_refs[c][...] = h[:, c * fcn:(c + 1) * fcn]


@functools.partial(jax.jit, static_argnums=(0, 1, 2, 3))
def _tc_fuse(ncl, fcl, ncn, fcn, agg, hps, dinv, b, w):
    fl = ncl * fcl
    fn = w.shape[1]
    return pl.pallas_call(
        functools.partial(_fuse_body, ncl, fcl, ncn, fcn),
        grid=(_NGRID,),
        in_specs=[
            pl.BlockSpec((_NB, 128), lambda i: (i, 0)),
        ] + [
            pl.BlockSpec((_NB, fcl), lambda i: (i, 0)),
        ] * ncl + [
            pl.BlockSpec((_NB, 1), lambda i: (i, 0)),
            pl.BlockSpec((1, fl), lambda i: (0, 0)),
            pl.BlockSpec((fl, fn), lambda i: (0, 0)),
        ],
        out_specs=[pl.BlockSpec((_NB, fcn), lambda i: (i, 0))] * ncn,
        out_shape=[jax.ShapeDtypeStruct((N, fcn), jnp.float32)] * ncn,
    )(agg, *hps, dinv, b.reshape(1, fl), w)


def _final_body(agg_ref, hp_ref, dinv_ref, b_ref, out_ref):
    dinv = dinv_ref[...]
    a = agg_ref[...]
    t = dinv * (a[:, 0:8] + a[:, 64:72] + hp_ref[...]) + b_ref[...]
    t = jnp.maximum(t, 0.0)
    s = jnp.sum(t, axis=1, keepdims=True)
    out_ref[...] = jax.nn.sigmoid(s)


@jax.jit
def _tc_final(agg, hp, dinv, b):
    return pl.pallas_call(
        _final_body,
        grid=(_NGRID,),
        in_specs=[
            pl.BlockSpec((_NB, 128), lambda i: (i, 0)),
            pl.BlockSpec((_NB, 8), lambda i: (i, 0)),
            pl.BlockSpec((_NB, 1), lambda i: (i, 0)),
            pl.BlockSpec((1, 8), lambda i: (0, 0)),
        ],
        out_specs=pl.BlockSpec((_NB, 1), lambda i: (i, 0)),
        out_shape=jax.ShapeDtypeStruct((N, 1), jnp.float32),
    )(agg, hp, dinv, b.reshape(1, 8))



def kernel(value, edge_index, W1, b1, W2, b2, W3, b3, W4, b4, W5, b5):
    src = edge_index[0]
    dst = edge_index[1]
    npad = EP - E
    srcb = jnp.concatenate([src, jnp.zeros((npad,), jnp.int32)]).reshape(RT, B)
    dstb = jnp.concatenate([dst, jnp.full((npad,), N, jnp.int32)]).reshape(RT, B)

    ones8 = jnp.ones((B, 8), jnp.float32)
    zeros8 = jnp.zeros((NP, 8), jnp.float32)
    deg = _sc_degree(dstb, ones8, zeros8)
    dinv = _tc_prep(deg)

    W5p = jnp.concatenate([W5, jnp.zeros((W5.shape[0], 4), jnp.float32)], 1)
    b5p = jnp.concatenate([b5, jnp.zeros((4,), jnp.float32)])
    ws = [W1, W2, W3, W4, W5p]
    bs = [b1, b2, b3, b4, b5p]

    nc, fc = _chunking(_DIMS[1])
    hps = _tc_matmul(nc, fc, value, ws[0], dinv)
    for l in range(5):
        zeros = jnp.zeros((NP, fc), jnp.float32)
        agg = _sc_scatter(nc, fc, hps, srcb, dstb, zeros)
        if l < 4:
            ncn, fcn = _chunking(_DIMS[l + 2])
            hps = _tc_fuse(nc, fc, ncn, fcn, agg, hps, dinv, bs[l], ws[l + 1])
            nc, fc = ncn, fcn
        else:
            out = _tc_final(agg, hps[0], dinv, bs[l])
    return out.reshape(N)

# --- scband reference (transcript-rebuilt; emitter-appended) ---
"""Pipeline reference for scband-decoder-16415365005699 (READ-ONLY COPY).

The authoritative reference and input builder live on the scoring server;
editing this copy changes nothing except your own understanding.
"""

import jax, jax.numpy as jnp
import numpy as np

N = 100000
E = 3200000
OC = 4
IN_CH = 21
DIMS = [IN_CH, 2 * OC, 4 * OC, 8 * OC, 16 * OC, OC]


def setup_inputs(seed: int = 0) -> dict:
    key = jax.random.key(seed)
    ks = jax.random.split(key, 16)
    inp = {}
    inp['value'] = jax.random.normal(ks[0], (N, IN_CH), dtype=jnp.float32)
    inp['edge_index'] = jax.random.randint(ks[1], (2, E), 0, N, dtype=jnp.int32)
    for i in range(5):
        fan_in, fan_out = DIMS[i], DIMS[i + 1]
        scale = (2.0 / (fan_in + fan_out)) ** 0.5
        inp['W%d' % (i + 1)] = jax.random.normal(ks[2 + 2 * i], (fan_in, fan_out), dtype=jnp.float32) * scale
        inp['b%d' % (i + 1)] = jnp.zeros((fan_out,), dtype=jnp.float32)
    return inp


def reference(value, edge_index, W1, b1, W2, b2, W3, b3, W4, b4, W5, b5):
    src = edge_index[0]
    dst = edge_index[1]
    loop = jnp.arange(N, dtype=src.dtype)
    src2 = jnp.concatenate([src, loop])
    dst2 = jnp.concatenate([dst, loop])
    deg = jnp.zeros((N,), dtype=jnp.float32).at[dst2].add(1.0)
    dinv = jnp.where(deg > 0, deg ** -0.5, 0.0)
    norm = dinv[src2] * dinv[dst2]

    def gcn(x, W, b):
        h = x @ W
        msg = h[src2] * norm[:, None]
        agg = jnp.zeros((N, W.shape[1]), dtype=h.dtype).at[dst2].add(msg)
        return agg + b

    h = jax.nn.relu(gcn(value, W1, b1))
    h = jax.nn.relu(gcn(h, W2, b2))
    h = jax.nn.relu(gcn(h, W3, b3))
    h = jax.nn.relu(gcn(h, W4, b4))
    h = jax.nn.relu(gcn(h, W5, b5))
    out = jnp.sum(h, axis=1)
    return jax.nn.sigmoid(out)

if __name__ == "__main__":
    import jax
    _d = setup_inputs()
    print(jax.jit(kernel)(*tuple(_d.values())))

</pallas_src>

<mosaic_0001>
#map = affine_map<(d0, d1) -> (0, 0)>
module attributes {stable_mosaic.version = 14 : i64} {
  func.func @body(%arg0: i32, %arg1: i32, %arg2: memref<25088x128xi32, #tpu.memory_space<hbm>>, %arg3: memref<128x8xf32, #tpu.memory_space<hbm>>, %arg4: memref<100096x8xf32, #tpu.memory_space<hbm>>, %arg5: memref<100096x128xf32, #tpu.memory_space<hbm>>, %arg6: memref<112x128xi32, #tpu.memory_space<vmem>>, %arg7: memref<128x8xf32, #tpu.memory_space<vmem>>, %arg8: memref<100096x8xf32, #tpu.memory_space<vmem_shared>>, %arg9: memref<!tpu.dma_semaphore, #tpu.memory_space<semaphore_mem>>) attributes {dimension_semantics = [#tpu.dimension_semantics<core_parallel>, #tpu.dimension_semantics<subcore_parallel>], iteration_bounds = array<i64: 2, 16>, scalar_prefetch = 0 : i64, scratch_operands = 4 : i64, tpu.core_type = #tpu.core_type<sc_vector_subcore>, window_params = [{transform_indices = #map}, {transform_indices = #map}, {transform_indices = #map}, {transform_indices = #map}]} {
    %mul3A = arith.constant 16 : i32
    %mul3A_0 = arith.muli %arg0, %mul3A : i32
    %add3A = arith.addi %mul3A_0, %arg1 : i32
    %mul3A_1 = arith.constant 784 : i32
    %mul3A_2 = arith.muli %add3A, %mul3A_1 : i32
    %mul3A_3 = arith.constant 6256 : i32
    %mul3A_4 = arith.muli %arg1, %mul3A_3 : i32
    "tpu.region"() ({
      %run_scoped3A = tpu.sem_alloc : memref<!tpu.dma_semaphore, #tpu.memory_space<semaphore_mem>>
      tpu.enqueue_dma source(%arg3 : memref<128x8xf32, #tpu.memory_space<hbm>>) target(%arg7 : memref<128x8xf32, #tpu.memory_space<vmem>>) target_semaphore(%run_scoped3A : memref<!tpu.dma_semaphore, #tpu.memory_space<semaphore_mem>>)
      tpu.wait_dma2 semaphore(%run_scoped3A : memref<!tpu.dma_semaphore, #tpu.memory_space<semaphore_mem>>) src(%arg3 : memref<128x8xf32, #tpu.memory_space<hbm>>) dst(%arg7 : memref<128x8xf32, #tpu.memory_space<vmem>>)
      tpu.yield
    }) : () -> ()
    "tpu.region"() ({
      %run_scoped3A = tpu.sem_alloc : memref<!tpu.dma_semaphore, #tpu.memory_space<semaphore_mem>>
      %dma_start3A = arith.constant 0 : i32
      %dma_start3A_14 = tpu.memref_slice %arg8[%mul3A_4, %dma_start3A] : memref<100096x8xf32, #tpu.memory_space<vmem_shared>> -> memref<6256x8xf32, #tpu.memory_space<vmem_shared>>
      %dma_start3A_15 = arith.constant 0 : i32
      %dma_start3A_16 = tpu.memref_slice %arg4[%mul3A_4, %dma_start3A_15] : memref<100096x8xf32, #tpu.memory_space<hbm>> -> memref<6256x8xf32, #tpu.memory_space<hbm>>
      tpu.enqueue_dma source(%dma_start3A_16 : memref<6256x8xf32, #tpu.memory_space<hbm>>) target(%dma_start3A_14 : memref<6256x8xf32, #tpu.memory_space<vmem_shared>>) target_semaphore(%run_scoped3A : memref<!tpu.dma_semaphore, #tpu.memory_space<semaphore_mem>>)
      %dma_wait3A = arith.constant 0 : i32
      %dma_wait3A_17 = tpu.memref_slice %arg8[%mul3A_4, %dma_wait3A] : memref<100096x8xf32, #tpu.memory_space<vmem_shared>> -> memref<6256x8xf32, #tpu.memory_space<vmem_shared>>
      %dma_wait3A_18 = arith.constant 0 : i32
      %dma_wait3A_19 = tpu.memref_slice %arg4[%mul3A_4, %dma_wait3A_18] : memref<100096x8xf32, #tpu.memory_space<hbm>> -> memref<6256x8xf32, #tpu.memory_space<hbm>>
      tpu.wait_dma2 semaphore(%run_scoped3A : memref<!tpu.dma_semaphore, #tpu.memory_space<semaphore_mem>>) src(%dma_wait3A_19 : memref<6256x8xf32, #tpu.memory_space<hbm>>) dst(%dma_wait3A_17 : memref<6256x8xf32, #tpu.memory_space<vmem_shared>>)
      tpu.yield
    }) : () -> ()
    %barrier3A = arith.constant 0 : index
    tpu.barrier barrier_id(%barrier3A)
    %scan3A = arith.constant 0 : i32
    %scan3A_5 = arith.constant 0 : i32
    %scan3A_6 = arith.constant 7 : i32
    %scan3A_7 = arith.addi %scan3A_5, %scan3A_6 : i32
    %scan3A_8 = arith.constant 1 : i32
    %scan3A_9 = scf.for %scan3A_14 = %scan3A_5 to %scan3A_7 step %scan3A_8 iter_args(%scan3A_15 = %scan3A) -> (i32)  : i32 {
      %mul3A_16 = arith.constant 112 : i32
      %mul3A_17 = arith.muli %scan3A_14, %mul3A_16 : i32
      %add3A_18 = arith.addi %mul3A_2, %mul3A_17 : i32
      "tpu.region"() ({
        %run_scoped3A = tpu.sem_alloc : memref<!tpu.dma_semaphore, #tpu.memory_space<semaphore_mem>>
        %dma_start3A = arith.constant 0 : i32
        %dma_start3A_26 = tpu.memref_slice %arg2[%add3A_18, %dma_start3A] : memref<25088x128xi32, #tpu.memory_space<hbm>> -> memref<112x128xi32, #tpu.memory_space<hbm>>
        %dma_start3A_27 = arith.constant 0 : i32
        %dma_start3A_28 = tpu.memref_slice %arg2[%add3A_18, %dma_start3A_27] : memref<25088x128xi32, #tpu.memory_space<hbm>> -> memref<112x128xi32, #tpu.memory_space<hbm>>
        tpu.enqueue_dma source(%dma_start3A_28 : memref<112x128xi32, #tpu.memory_space<hbm>>) target(%arg6 : memref<112x128xi32, #tpu.memory_space<vmem>>) target_semaphore(%run_scoped3A : memref<!tpu.dma_semaphore, #tpu.memory_space<semaphore_mem>>)
        %dma_wait3A = arith.constant 0 : i32
        %dma_wait3A_29 = tpu.memref_slice %arg2[%add3A_18, %dma_wait3A] : memref<25088x128xi32, #tpu.memory_space<hbm>> -> memref<112x128xi32, #tpu.memory_space<hbm>>
        %dma_wait3A_30 = arith.constant 0 : i32
        %dma_wait3A_31 = tpu.memref_slice %arg2[%add3A_18, %dma_wait3A_30] : memref<25088x128xi32, #tpu.memory_space<hbm>> -> memref<112x128xi32, #tpu.memory_space<hbm>>
        tpu.wait_dma2 semaphore(%run_scoped3A : memref<!tpu.dma_semaphore, #tpu.memory_space<semaphore_mem>>) src(%dma_wait3A_31 : memref<112x128xi32, #tpu.memory_space<hbm>>) dst(%arg6 : memref<112x128xi32, #tpu.memory_space<vmem>>)
        tpu.yield
      }) : () -> ()
      %scan3A_19 = arith.constant 0 : i32
      %scan3A_20 = arith.constant 0 : i32
      %scan3A_21 = arith.constant 7 : i32
      %scan3A_22 = arith.addi %scan3A_20, %scan3A_21 : i32
      %scan3A_23 = arith.constant 1 : i32
      %scan3A_24 = scf.for %scan3A_26 = %scan3A_20 to %scan3A_22 step %scan3A_23 iter_args(%scan3A_27 = %scan3A_19) -> (i32)  : i32 {
        %mul3A_28 = arith.constant 16 : i32
        %mul3A_29 = arith.muli %scan3A_26, %mul3A_28 : i32
        %add3A_30 = arith.constant 0 : i32
        %add3A_31 = arith.addi %mul3A_29, %add3A_30 : i32
        %dma_start3A = arith.constant 0 : i32
        %dma_start3A_32 = tpu.memref_slice %arg6[%add3A_31, %dma_start3A] : memref<112x128xi32, #tpu.memory_space<vmem>> -> memref<1x128xi32, #tpu.memory_space<vmem>>
        %dma_start3A_33 = tpu.memref_squeeze %dma_start3A_32 : memref<1x128xi32, #tpu.memory_space<vmem>> -> memref<128xi32, #tpu.memory_space<vmem>>
        %dma_start3A_34 = arith.constant 0 : i32
        %dma_start3A_35 = arith.constant 0 : i32
        %dma_start3A_36 = tpu.memref_slice %arg8[%dma_start3A_34, %dma_start3A_35] : memref<100096x8xf32, #tpu.memory_space<vmem_shared>> -> memref<100096x8xf32, #tpu.memory_space<vmem_shared>>
        tpu.enqueue_indirect_dma source(%arg7 : memref<128x8xf32, #tpu.memory_space<vmem>>) target(%dma_start3A_36 : memref<100096x8xf32, #tpu.memory_space<vmem_shared>>) offsets(%dma_start3A_33 : memref<128xi32, #tpu.memory_space<vmem>>) semaphore(%arg9 : memref<!tpu.dma_semaphore, #tpu.memory_space<semaphore_mem>>) {add = true}
        %add3A_37 = arith.constant 1 : i32
        %add3A_38 = arith.addi %mul3A_29, %add3A_37 : i32
        %dma_start3A_39 = arith.constant 0 : i32
        %dma_start3A_40 = tpu.memref_slice %arg6[%add3A_38, %dma_start3A_39] : memref<112x128xi32, #tpu.memory_space<vmem>> -> memref<1x128xi32, #tpu.memory_space<vmem>>
        %dma_start3A_41 = tpu.memref_squeeze %dma_start3A_40 : memref<1x128xi32, #tpu.memory_space<vmem>> -> memref<128xi32, #tpu.memory_space<vmem>>
        %dma_start3A_42 = arith.constant 0 : i32
        %dma_start3A_43 = arith.constant 0 : i32
        %dma_start3A_44 = tpu.memref_slice %arg8[%dma_start3A_42, %dma_start3A_43] : memref<100096x8xf32, #tpu.memory_space<vmem_shared>> -> memref<100096x8xf32, #tpu.memory_space<vmem_shared>>
        tpu.enqueue_indirect_dma source(%arg7 : memref<128x8xf32, #tpu.memory_space<vmem>>) target(%dma_start3A_44 : memref<100096x8xf32, #tpu.memory_space<vmem_shared>>) offsets(%dma_start3A_41 : memref<128xi32, #tpu.memory_space<vmem>>) semaphore(%arg9 : memref<!tpu.dma_semaphore, #tpu.memory_space<semaphore_mem>>) {add = true}
        %add3A_45 = arith.constant 2 : i32
        %add3A_46 = arith.addi %mul3A_29, %add3A_45 : i32
        %dma_start3A_47 = arith.constant 0 : i32
        %dma_start3A_48 = tpu.memref_slice %arg6[%add3A_46, %dma_start3A_47] : memref<112x128xi32, #tpu.memory_space<vmem>> -> memref<1x128xi32, #tpu.memory_space<vmem>>
        %dma_start3A_49 = tpu.memref_squeeze %dma_start3A_48 : memref<1x128xi32, #tpu.memory_space<vmem>> -> memref<128xi32, #tpu.memory_space<vmem>>
        %dma_start3A_50 = arith.constant 0 : i32
        %dma_start3A_51 = arith.constant 0 : i32
        %dma_start3A_52 = tpu.memref_slice %arg8[%dma_start3A_50, %dma_start3A_51] : memref<100096x8xf32, #tpu.memory_space<vmem_shared>> -> memref<100096x8xf32, #tpu.memory_space<vmem_shared>>
        tpu.enqueue_indirect_dma source(%arg7 : memref<128x8xf32, #tpu.memory_space<vmem>>) target(%dma_start3A_52 : memref<100096x8xf32, #tpu.memory_space<vmem_shared>>) offsets(%dma_start3A_49 : memref<128xi32, #tpu.memory_space<vmem>>) semaphore(%arg9 : memref<!tpu.dma_semaphore, #tpu.memory_space<semaphore_mem>>) {add = true}
        %add3A_53 = arith.constant 3 : i32
        %add3A_54 = arith.addi %mul3A_29, %add3A_53 : i32
        %dma_start3A_55 = arith.constant 0 : i32
        %dma_start3A_56 = tpu.memref_slice %arg6[%add3A_54, %dma_start3A_55] : memref<112x128xi32, #tpu.memory_space<vmem>> -> memref<1x128xi32, #tpu.memory_space<vmem>>
        %dma_start3A_57 = tpu.memref_squeeze %dma_start3A_56 : memref<1x128xi32, #tpu.memory_space<vmem>> -> memref<128xi32, #tpu.memory_space<vmem>>
        %dma_start3A_58 = arith.constant 0 : i32
        %dma_start3A_59 = arith.constant 0 : i32
        %dma_start3A_60 = tpu.memref_slice %arg8[%dma_start3A_58, %dma_start3A_59] : memref<100096x8xf32, #tpu.memory_space<vmem_shared>> -> memref<100096x8xf32, #tpu.memory_space<vmem_shared>>
        tpu.enqueue_indirect_dma source(%arg7 : memref<128x8xf32, #tpu.memory_space<vmem>>) target(%dma_start3A_60 : memref<100096x8xf32, #tpu.memory_space<vmem_shared>>) offsets(%dma_start3A_57 : memref<128xi32, #tpu.memory_space<vmem>>) semaphore(%arg9 : memref<!tpu.dma_semaphore, #tpu.memory_space<semaphore_mem>>) {add = true}
        %add3A_61 = arith.constant 4 : i32
        %add3A_62 = arith.addi %mul3A_29, %add3A_61 : i32
        %dma_start3A_63 = arith.constant 0 : i32
        %dma_start3A_64 = tpu.memref_slice %arg6[%add3A_62, %dma_start3A_63] : memref<112x128xi32, #tpu.memory_space<vmem>> -> memref<1x128xi32, #tpu.memory_space<vmem>>
        %dma_start3A_65 = tpu.memref_squeeze %dma_start3A_64 : memref<1x128xi32, #tpu.memory_space<vmem>> -> memref<128xi32, #tpu.memory_space<vmem>>
        %dma_start3A_66 = arith.constant 0 : i32
        %dma_start3A_67 = arith.constant 0 : i32
        %dma_start3A_68 = tpu.memref_slice %arg8[%dma_start3A_66, %dma_start3A_67] : memref<100096x8xf32, #tpu.memory_space<vmem_shared>> -> memref<100096x8xf32, #tpu.memory_space<vmem_shared>>
        tpu.enqueue_indirect_dma source(%arg7 : memref<128x8xf32, #tpu.memory_space<vmem>>) target(%dma_start3A_68 : memref<100096x8xf32, #tpu.memory_space<vmem_shared>>) offsets(%dma_start3A_65 : memref<128xi32, #tpu.memory_space<vmem>>) semaphore(%arg9 : memref<!tpu.dma_semaphore, #tpu.memory_space<semaphore_mem>>) {add = true}
        %add3A_69 = arith.constant 5 : i32
        %add3A_70 = arith.addi %mul3A_29, %add3A_69 : i32
        %dma_start3A_71 = arith.constant 0 : i32
        %dma_start3A_72 = tpu.memref_slice %arg6[%add3A_70, %dma_start3A_71] : memref<112x128xi32, #tpu.memory_space<vmem>> -> memref<1x128xi32, #tpu.memory_space<vmem>>
        %dma_start3A_73 = tpu.memref_squeeze %dma_start3A_72 : memref<1x128xi32, #tpu.memory_space<vmem>> -> memref<128xi32, #tpu.memory_space<vmem>>
        %dma_start3A_74 = arith.constant 0 : i32
        %dma_start3A_75 = arith.constant 0 : i32
        %dma_start3A_76 = tpu.memref_slice %arg8[%dma_start3A_74, %dma_start3A_75] : memref<100096x8xf32, #tpu.memory_space<vmem_shared>> -> memref<100096x8xf32, #tpu.memory_space<vmem_shared>>
        tpu.enqueue_indirect_dma source(%arg7 : memref<128x8xf32, #tpu.memory_space<vmem>>) target(%dma_start3A_76 : memref<100096x8xf32, #tpu.memory_space<vmem_shared>>) offsets(%dma_start3A_73 : memref<128xi32, #tpu.memory_space<vmem>>) semaphore(%arg9 : memref<!tpu.dma_semaphore, #tpu.memory_space<semaphore_mem>>) {add = true}
        %add3A_77 = arith.constant 6 : i32
        %add3A_78 = arith.addi %mul3A_29, %add3A_77 : i32
        %dma_start3A_79 = arith.constant 0 : i32
        %dma_start3A_80 = tpu.memref_slice %arg6[%add3A_78, %dma_start3A_79] : memref<112x128xi32, #tpu.memory_space<vmem>> -> memref<1x128xi32, #tpu.memory_space<vmem>>
        %dma_start3A_81 = tpu.memref_squeeze %dma_start3A_80 : memref<1x128xi32, #tpu.memory_space<vmem>> -> memref<128xi32, #tpu.memory_space<vmem>>
        %dma_start3A_82 = arith.constant 0 : i32
        %dma_start3A_83 = arith.constant 0 : i32
        %dma_start3A_84 = tpu.memref_slice %arg8[%dma_start3A_82, %dma_start3A_83] : memref<100096x8xf32, #tpu.memory_space<vmem_shared>> -> memref<100096x8xf32, #tpu.memory_space<vmem_shared>>
        tpu.enqueue_indirect_dma source(%arg7 : memref<128x8xf32, #tpu.memory_space<vmem>>) target(%dma_start3A_84 : memref<100096x8xf32, #tpu.memory_space<vmem_shared>>) offsets(%dma_start3A_81 : memref<128xi32, #tpu.memory_space<vmem>>) semaphore(%arg9 : memref<!tpu.dma_semaphore, #tpu.memory_space<semaphore_mem>>) {add = true}
        %add3A_85 = arith.constant 7 : i32
        %add3A_86 = arith.addi %mul3A_29, %add3A_85 : i32
        %dma_start3A_87 = arith.constant 0 : i32
        %dma_start3A_88 = tpu.memref_slice %arg6[%add3A_86, %dma_start3A_87] : memref<112x128xi32, #tpu.memory_space<vmem>> -> memref<1x128xi32, #tpu.memory_space<vmem>>
        %dma_start3A_89 = tpu.memref_squeeze %dma_start3A_88 : memref<1x128xi32, #tpu.memory_space<vmem>> -> memref<128xi32, #tpu.memory_space<vmem>>
        %dma_start3A_90 = arith.constant 0 : i32
        %dma_start3A_91 = arith.constant 0 : i32
        %dma_start3A_92 = tpu.memref_slice %arg8[%dma_start3A_90, %dma_start3A_91] : memref<100096x8xf32, #tpu.memory_space<vmem_shared>> -> memref<100096x8xf32, #tpu.memory_space<vmem_shared>>
        tpu.enqueue_indirect_dma source(%arg7 : memref<128x8xf32, #tpu.memory_space<vmem>>) target(%dma_start3A_92 : memref<100096x8xf32, #tpu.memory_space<vmem_shared>>) offsets(%dma_start3A_89 : memref<128xi32, #tpu.memory_space<vmem>>) semaphore(%arg9 : memref<!tpu.dma_semaphore, #tpu.memory_space<semaphore_mem>>) {add = true}
        %add3A_93 = arith.constant 8 : i32
        %add3A_94 = arith.addi %mul3A_29, %add3A_93 : i32
        %dma_start3A_95 = arith.constant 0 : i32
        %dma_start3A_96 = tpu.memref_slice %arg6[%add3A_94, %dma_start3A_95] : memref<112x128xi32, #tpu.memory_space<vmem>> -> memref<1x128xi32, #tpu.memory_space<vmem>>
        %dma_start3A_97 = tpu.memref_squeeze %dma_start3A_96 : memref<1x128xi32, #tpu.memory_space<vmem>> -> memref<128xi32, #tpu.memory_space<vmem>>
        %dma_start3A_98 = arith.constant 0 : i32
        %dma_start3A_99 = arith.constant 0 : i32
        %dma_start3A_100 = tpu.memref_slice %arg8[%dma_start3A_98, %dma_start3A_99] : memref<100096x8xf32, #tpu.memory_space<vmem_shared>> -> memref<100096x8xf32, #tpu.memory_space<vmem_shared>>
        tpu.enqueue_indirect_dma source(%arg7 : memref<128x8xf32, #tpu.memory_space<vmem>>) target(%dma_start3A_100 : memref<100096x8xf32, #tpu.memory_space<vmem_shared>>) offsets(%dma_start3A_97 : memref<128xi32, #tpu.memory_space<vmem>>) semaphore(%arg9 : memref<!tpu.dma_semaphore, #tpu.memory_space<semaphore_mem>>) {add = true}
        %add3A_101 = arith.constant 9 : i32
        %add3A_102 = arith.addi %mul3A_29, %add3A_101 : i32
        %dma_start3A_103 = arith.constant 0 : i32
        %dma_start3A_104 = tpu.memref_slice %arg6[%add3A_102, %dma_start3A_103] : memref<112x128xi32, #tpu.memory_space<vmem>> -> memref<1x128xi32, #tpu.memory_space<vmem>>
        %dma_start3A_105 = tpu.memref_squeeze %dma_start3A_104 : memref<1x128xi32, #tpu.memory_space<vmem>> -> memref<128xi32, #tpu.memory_space<vmem>>
        %dma_start3A_106 = arith.constant 0 : i32
        %dma_start3A_107 = arith.constant 0 : i32
        %dma_start3A_108 = tpu.memref_slice %arg8[%dma_start3A_106, %dma_start3A_107] : memref<100096x8xf32, #tpu.memory_space<vmem_shared>> -> memref<100096x8xf32, #tpu.memory_space<vmem_shared>>
        tpu.enqueue_indirect_dma source(%arg7 : memref<128x8xf32, #tpu.memory_space<vmem>>) target(%dma_start3A_108 : memref<100096x8xf32, #tpu.memory_space<vmem_shared>>) offsets(%dma_start3A_105 : memref<128xi32, #tpu.memory_space<vmem>>) semaphore(%arg9 : memref<!tpu.dma_semaphore, #tpu.memory_space<semaphore_mem>>) {add = true}
        %add3A_109 = arith.constant 10 : i32
        %add3A_110 = arith.addi %mul3A_29, %add3A_109 : i32
        %dma_start3A_111 = arith.constant 0 : i32
        %dma_start3A_112 = tpu.memref_slice %arg6[%add3A_110, %dma_start3A_111] : memref<112x128xi32, #tpu.memory_space<vmem>> -> memref<1x128xi32, #tpu.memory_space<vmem>>
        %dma_start3A_113 = tpu.memref_squeeze %dma_start3A_112 : memref<1x128xi32, #tpu.memory_space<vmem>> -> memref<128xi32, #tpu.memory_space<vmem>>
        %dma_start3A_114 = arith.constant 0 : i32
        %dma_start3A_115 = arith.constant 0 : i32
        %dma_start3A_116 = tpu.memref_slice %arg8[%dma_start3A_114, %dma_start3A_115] : memref<100096x8xf32, #tpu.memory_space<vmem_shared>> -> memref<100096x8xf32, #tpu.memory_space<vmem_shared>>
        tpu.enqueue_indirect_dma source(%arg7 : memref<128x8xf32, #tpu.memory_space<vmem>>) target(%dma_start3A_116 : memref<100096x8xf32, #tpu.memory_space<vmem_shared>>) offsets(%dma_start3A_113 : memref<128xi32, #tpu.memory_space<vmem>>) semaphore(%arg9 : memref<!tpu.dma_semaphore, #tpu.memory_space<semaphore_mem>>) {add = true}
        %add3A_117 = arith.constant 11 : i32
        %add3A_118 = arith.addi %mul3A_29, %add3A_117 : i32
        %dma_start3A_119 = arith.constant 0 : i32
        %dma_start3A_120 = tpu.memref_slice %arg6[%add3A_118, %dma_start3A_119] : memref<112x128xi32, #tpu.memory_space<vmem>> -> memref<1x128xi32, #tpu.memory_space<vmem>>
        %dma_start3A_121 = tpu.memref_squeeze %dma_start3A_120 : memref<1x128xi32, #tpu.memory_space<vmem>> -> memref<128xi32, #tpu.memory_space<vmem>>
        %dma_start3A_122 = arith.constant 0 : i32
        %dma_start3A_123 = arith.constant 0 : i32
        %dma_start3A_124 = tpu.memref_slice %arg8[%dma_start3A_122, %dma_start3A_123] : memref<100096x8xf32, #tpu.memory_space<vmem_shared>> -> memref<100096x8xf32, #tpu.memory_space<vmem_shared>>
        tpu.enqueue_indirect_dma source(%arg7 : memref<128x8xf32, #tpu.memory_space<vmem>>) target(%dma_start3A_124 : memref<100096x8xf32, #tpu.memory_space<vmem_shared>>) offsets(%dma_start3A_121 : memref<128xi32, #tpu.memory_space<vmem>>) semaphore(%arg9 : memref<!tpu.dma_semaphore, #tpu.memory_space<semaphore_mem>>) {add = true}
        %add3A_125 = arith.constant 12 : i32
        %add3A_126 = arith.addi %mul3A_29, %add3A_125 : i32
        %dma_start3A_127 = arith.constant 0 : i32
        %dma_start3A_128 = tpu.memref_slice %arg6[%add3A_126, %dma_start3A_127] : memref<112x128xi32, #tpu.memory_space<vmem>> -> memref<1x128xi32, #tpu.memory_space<vmem>>
        %dma_start3A_129 = tpu.memref_squeeze %dma_start3A_128 : memref<1x128xi32, #tpu.memory_space<vmem>> -> memref<128xi32, #tpu.memory_space<vmem>>
        %dma_start3A_130 = arith.constant 0 : i32
        %dma_start3A_131 = arith.constant 0 : i32
        %dma_start3A_132 = tpu.memref_slice %arg8[%dma_start3A_130, %dma_start3A_131] : memref<100096x8xf32, #tpu.memory_space<vmem_shared>> -> memref<100096x8xf32, #tpu.memory_space<vmem_shared>>
        tpu.enqueue_indirect_dma source(%arg7 : memref<128x8xf32, #tpu.memory_space<vmem>>) target(%dma_start3A_132 : memref<100096x8xf32, #tpu.memory_space<vmem_shared>>) offsets(%dma_start3A_129 : memref<128xi32, #tpu.memory_space<vmem>>) semaphore(%arg9 : memref<!tpu.dma_semaphore, #tpu.memory_space<semaphore_mem>>) {add = true}
        %add3A_133 = arith.constant 13 : i32
        %add3A_134 = arith.addi %mul3A_29, %add3A_133 : i32
        %dma_start3A_135 = arith.constant 0 : i32
        %dma_start3A_136 = tpu.memref_slice %arg6[%add3A_134, %dma_start3A_135] : memref<112x128xi32, #tpu.memory_space<vmem>> -> memref<1x128xi32, #tpu.memory_space<vmem>>
        %dma_start3A_137 = tpu.memref_squeeze %dma_start3A_136 : memref<1x128xi32, #tpu.memory_space<vmem>> -> memref<128xi32, #tpu.memory_space<vmem>>
        %dma_start3A_138 = arith.constant 0 : i32
        %dma_start3A_139 = arith.constant 0 : i32
        %dma_start3A_140 = tpu.memref_slice %arg8[%dma_start3A_138, %dma_start3A_139] : memref<100096x8xf32, #tpu.memory_space<vmem_shared>> -> memref<100096x8xf32, #tpu.memory_space<vmem_shared>>
        tpu.enqueue_indirect_dma source(%arg7 : memref<128x8xf32, #tpu.memory_space<vmem>>) target(%dma_start3A_140 : memref<100096x8xf32, #tpu.memory_space<vmem_shared>>) offsets(%dma_start3A_137 : memref<128xi32, #tpu.memory_space<vmem>>) semaphore(%arg9 : memref<!tpu.dma_semaphore, #tpu.memory_space<semaphore_mem>>) {add = true}
        %add3A_141 = arith.constant 14 : i32
        %add3A_142 = arith.addi %mul3A_29, %add3A_141 : i32
        %dma_start3A_143 = arith.constant 0 : i32
        %dma_start3A_144 = tpu.memref_slice %arg6[%add3A_142, %dma_start3A_143] : memref<112x128xi32, #tpu.memory_space<vmem>> -> memref<1x128xi32, #tpu.memory_space<vmem>>
        %dma_start3A_145 = tpu.memref_squeeze %dma_start3A_144 : memref<1x128xi32, #tpu.memory_space<vmem>> -> memref<128xi32, #tpu.memory_space<vmem>>
        %dma_start3A_146 = arith.constant 0 : i32
        %dma_start3A_147 = arith.constant 0 : i32
        %dma_start3A_148 = tpu.memref_slice %arg8[%dma_start3A_146, %dma_start3A_147] : memref<100096x8xf32, #tpu.memory_space<vmem_shared>> -> memref<100096x8xf32, #tpu.memory_space<vmem_shared>>
        tpu.enqueue_indirect_dma source(%arg7 : memref<128x8xf32, #tpu.memory_space<vmem>>) target(%dma_start3A_148 : memref<100096x8xf32, #tpu.memory_space<vmem_shared>>) offsets(%dma_start3A_145 : memref<128xi32, #tpu.memory_space<vmem>>) semaphore(%arg9 : memref<!tpu.dma_semaphore, #tpu.memory_space<semaphore_mem>>) {add = true}
        %add3A_149 = arith.constant 15 : i32
        %add3A_150 = arith.addi %mul3A_29, %add3A_149 : i32
        %dma_start3A_151 = arith.constant 0 : i32
        %dma_start3A_152 = tpu.memref_slice %arg6[%add3A_150, %dma_start3A_151] : memref<112x128xi32, #tpu.memory_space<vmem>> -> memref<1x128xi32, #tpu.memory_space<vmem>>
        %dma_start3A_153 = tpu.memref_squeeze %dma_start3A_152 : memref<1x128xi32, #tpu.memory_space<vmem>> -> memref<128xi32, #tpu.memory_space<vmem>>
        %dma_start3A_154 = arith.constant 0 : i32
        %dma_start3A_155 = arith.constant 0 : i32
        %dma_start3A_156 = tpu.memref_slice %arg8[%dma_start3A_154, %dma_start3A_155] : memref<100096x8xf32, #tpu.memory_space<vmem_shared>> -> memref<100096x8xf32, #tpu.memory_space<vmem_shared>>
        tpu.enqueue_indirect_dma source(%arg7 : memref<128x8xf32, #tpu.memory_space<vmem>>) target(%dma_start3A_156 : memref<100096x8xf32, #tpu.memory_space<vmem_shared>>) offsets(%dma_start3A_153 : memref<128xi32, #tpu.memory_space<vmem>>) semaphore(%arg9 : memref<!tpu.dma_semaphore, #tpu.memory_space<semaphore_mem>>) {add = true}
        %dma_wait3A = arith.constant 0 : i32
        %dma_wait3A_157 = tpu.memref_slice %arg6[%add3A_31, %dma_wait3A] : memref<112x128xi32, #tpu.memory_space<vmem>> -> memref<1x128xi32, #tpu.memory_space<vmem>>
        %dma_wait3A_158 = tpu.memref_squeeze %dma_wait3A_157 : memref<1x128xi32, #tpu.memory_space<vmem>> -> memref<128xi32, #tpu.memory_space<vmem>>
        %dma_wait3A_159 = arith.constant 0 : i32
        %dma_wait3A_160 = arith.constant 0 : i32
        %dma_wait3A_161 = tpu.memref_slice %arg8[%dma_wait3A_159, %dma_wait3A_160] : memref<100096x8xf32, #tpu.memory_space<vmem_shared>> -> memref<100096x8xf32, #tpu.memory_space<vmem_shared>>
        tpu.wait_indirect_dma semaphore(%arg9 : memref<!tpu.dma_semaphore, #tpu.memory_space<semaphore_mem>>) src(%arg7 : memref<128x8xf32, #tpu.memory_space<vmem>>) dst(%dma_wait3A_161 : memref<100096x8xf32, #tpu.memory_space<vmem_shared>>)
        %dma_wait3A_162 = arith.constant 0 : i32
        %dma_wait3A_163 = tpu.memref_slice %arg6[%add3A_38, %dma_wait3A_162] : memref<112x128xi32, #tpu.memory_space<vmem>> -> memref<1x128xi32, #tpu.memory_space<vmem>>
        %dma_wait3A_164 = tpu.memref_squeeze %dma_wait3A_163 : memref<1x128xi32, #tpu.memory_space<vmem>> -> memref<128xi32, #tpu.memory_space<vmem>>
        %dma_wait3A_165 = arith.constant 0 : i32
        %dma_wait3A_166 = arith.constant 0 : i32
        %dma_wait3A_167 = tpu.memref_slice %arg8[%dma_wait3A_165, %dma_wait3A_166] : memref<100096x8xf32, #tpu.memory_space<vmem_shared>> -> memref<100096x8xf32, #tpu.memory_space<vmem_shared>>
        tpu.wait_indirect_dma semaphore(%arg9 : memref<!tpu.dma_semaphore, #tpu.memory_space<semaphore_mem>>) src(%arg7 : memref<128x8xf32, #tpu.memory_space<vmem>>) dst(%dma_wait3A_167 : memref<100096x8xf32, #tpu.memory_space<vmem_shared>>)
        %dma_wait3A_168 = arith.constant 0 : i32
        %dma_wait3A_169 = tpu.memref_slice %arg6[%add3A_46, %dma_wait3A_168] : memref<112x128xi32, #tpu.memory_space<vmem>> -> memref<1x128xi32, #tpu.memory_space<vmem>>
        %dma_wait3A_170 = tpu.memref_squeeze %dma_wait3A_169 : memref<1x128xi32, #tpu.memory_space<vmem>> -> memref<128xi32, #tpu.memory_space<vmem>>
        %dma_wait3A_171 = arith.constant 0 : i32
        %dma_wait3A_172 = arith.constant 0 : i32
        %dma_wait3A_173 = tpu.memref_slice %arg8[%dma_wait3A_171, %dma_wait3A_172] : memref<100096x8xf32, #tpu.memory_space<vmem_shared>> -> memref<100096x8xf32, #tpu.memory_space<vmem_shared>>
        tpu.wait_indirect_dma semaphore(%arg9 : memref<!tpu.dma_semaphore, #tpu.memory_space<semaphore_mem>>) src(%arg7 : memref<128x8xf32, #tpu.memory_space<vmem>>) dst(%dma_wait3A_173 : memref<100096x8xf32, #tpu.memory_space<vmem_shared>>)
        %dma_wait3A_174 = arith.constant 0 : i32
        %dma_wait3A_175 = tpu.memref_slice %arg6[%add3A_54, %dma_wait3A_174] : memref<112x128xi32, #tpu.memory_space<vmem>> -> memref<1x128xi32, #tpu.memory_space<vmem>>
        %dma_wait3A_176 = tpu.memref_squeeze %dma_wait3A_175 : memref<1x128xi32, #tpu.memory_space<vmem>> -> memref<128xi32, #tpu.memory_space<vmem>>
        %dma_wait3A_177 = arith.constant 0 : i32
        %dma_wait3A_178 = arith.constant 0 : i32
        %dma_wait3A_179 = tpu.memref_slice %arg8[%dma_wait3A_177, %dma_wait3A_178] : memref<100096x8xf32, #tpu.memory_space<vmem_shared>> -> memref<100096x8xf32, #tpu.memory_space<vmem_shared>>
        tpu.wait_indirect_dma semaphore(%arg9 : memref<!tpu.dma_semaphore, #tpu.memory_space<semaphore_mem>>) src(%arg7 : memref<128x8xf32, #tpu.memory_space<vmem>>) dst(%dma_wait3A_179 : memref<100096x8xf32, #tpu.memory_space<vmem_shared>>)
        %dma_wait3A_180 = arith.constant 0 : i32
        %dma_wait3A_181 = tpu.memref_slice %arg6[%add3A_62, %dma_wait3A_180] : memref<112x128xi32, #tpu.memory_space<vmem>> -> memref<1x128xi32, #tpu.memory_space<vmem>>
        %dma_wait3A_182 = tpu.memref_squeeze %dma_wait3A_181 : memref<1x128xi32, #tpu.memory_space<vmem>> -> memref<128xi32, #tpu.memory_space<vmem>>
        %dma_wait3A_183 = arith.constant 0 : i32
        %dma_wait3A_184 = arith.constant 0 : i32
        %dma_wait3A_185 = tpu.memref_slice %arg8[%dma_wait3A_183, %dma_wait3A_184] : memref<100096x8xf32, #tpu.memory_space<vmem_shared>> -> memref<100096x8xf32, #tpu.memory_space<vmem_shared>>
        tpu.wait_indirect_dma semaphore(%arg9 : memref<!tpu.dma_semaphore, #tpu.memory_space<semaphore_mem>>) src(%arg7 : memref<128x8xf32, #tpu.memory_space<vmem>>) dst(%dma_wait3A_185 : memref<100096x8xf32, #tpu.memory_space<vmem_shared>>)
        %dma_wait3A_186 = arith.constant 0 : i32
        %dma_wait3A_187 = tpu.memref_slice %arg6[%add3A_70, %dma_wait3A_186] : memref<112x128xi32, #tpu.memory_space<vmem>> -> memref<1x128xi32, #tpu.memory_space<vmem>>
        %dma_wait3A_188 = tpu.memref_squeeze %dma_wait3A_187 : memref<1x128xi32, #tpu.memory_space<vmem>> -> memref<128xi32, #tpu.memory_space<vmem>>
        %dma_wait3A_189 = arith.constant 0 : i32
        %dma_wait3A_190 = arith.constant 0 : i32
        %dma_wait3A_191 = tpu.memref_slice %arg8[%dma_wait3A_189, %dma_wait3A_190] : memref<100096x8xf32, #tpu.memory_space<vmem_shared>> -> memref<100096x8xf32, #tpu.memory_space<vmem_shared>>
        tpu.wait_indirect_dma semaphore(%arg9 : memref<!tpu.dma_semaphore, #tpu.memory_space<semaphore_mem>>) src(%arg7 : memref<128x8xf32, #tpu.memory_space<vmem>>) dst(%dma_wait3A_191 : memref<100096x8xf32, #tpu.memory_space<vmem_shared>>)
        %dma_wait3A_192 = arith.constant 0 : i32
        %dma_wait3A_193 = tpu.memref_slice %arg6[%add3A_78, %dma_wait3A_192] : memref<112x128xi32, #tpu.memory_space<vmem>> -> memref<1x128xi32, #tpu.memory_space<vmem>>
        %dma_wait3A_194 = tpu.memref_squeeze %dma_wait3A_193 : memref<1x128xi32, #tpu.memory_space<vmem>> -> memref<128xi32, #tpu.memory_space<vmem>>
        %dma_wait3A_195 = arith.constant 0 : i32
        %dma_wait3A_196 = arith.constant 0 : i32
        %dma_wait3A_197 = tpu.memref_slice %arg8[%dma_wait3A_195, %dma_wait3A_196] : memref<100096x8xf32, #tpu.memory_space<vmem_shared>> -> memref<100096x8xf32, #tpu.memory_space<vmem_shared>>
        tpu.wait_indirect_dma semaphore(%arg9 : memref<!tpu.dma_semaphore, #tpu.memory_space<semaphore_mem>>) src(%arg7 : memref<128x8xf32, #tpu.memory_space<vmem>>) dst(%dma_wait3A_197 : memref<100096x8xf32, #tpu.memory_space<vmem_shared>>)
        %dma_wait3A_198 = arith.constant 0 : i32
        %dma_wait3A_199 = tpu.memref_slice %arg6[%add3A_86, %dma_wait3A_198] : memref<112x128xi32, #tpu.memory_space<vmem>> -> memref<1x128xi32, #tpu.memory_space<vmem>>
        %dma_wait3A_200 = tpu.memref_squeeze %dma_wait3A_199 : memref<1x128xi32, #tpu.memory_space<vmem>> -> memref<128xi32, #tpu.memory_space<vmem>>
        %dma_wait3A_201 = arith.constant 0 : i32
        %dma_wait3A_202 = arith.constant 0 : i32
        %dma_wait3A_203 = tpu.memref_slice %arg8[%dma_wait3A_201, %dma_wait3A_202] : memref<100096x8xf32, #tpu.memory_space<vmem_shared>> -> memref<100096x8xf32, #tpu.memory_space<vmem_shared>>
        tpu.wait_indirect_dma semaphore(%arg9 : memref<!tpu.dma_semaphore, #tpu.memory_space<semaphore_mem>>) src(%arg7 : memref<128x8xf32, #tpu.memory_space<vmem>>) dst(%dma_wait3A_203 : memref<100096x8xf32, #tpu.memory_space<vmem_shared>>)
        %dma_wait3A_204 = arith.constant 0 : i32
        %dma_wait3A_205 = tpu.memref_slice %arg6[%add3A_94, %dma_wait3A_204] : memref<112x128xi32, #tpu.memory_space<vmem>> -> memref<1x128xi32, #tpu.memory_space<vmem>>
        %dma_wait3A_206 = tpu.memref_squeeze %dma_wait3A_205 : memref<1x128xi32, #tpu.memory_space<vmem>> -> memref<128xi32, #tpu.memory_space<vmem>>
        %dma_wait3A_207 = arith.constant 0 : i32
        %dma_wait3A_208 = arith.constant 0 : i32
        %dma_wait3A_209 = tpu.memref_slice %arg8[%dma_wait3A_207, %dma_wait3A_208] : memref<100096x8xf32, #tpu.memory_space<vmem_shared>> -> memref<100096x8xf32, #tpu.memory_space<vmem_shared>>
        tpu.wait_indirect_dma semaphore(%arg9 : memref<!tpu.dma_semaphore, #tpu.memory_space<semaphore_mem>>) src(%arg7 : memref<128x8xf32, #tpu.memory_space<vmem>>) dst(%dma_wait3A_209 : memref<100096x8xf32, #tpu.memory_space<vmem_shared>>)
        %dma_wait3A_210 = arith.constant 0 : i32
        %dma_wait3A_211 = tpu.memref_slice %arg6[%add3A_102, %dma_wait3A_210] : memref<112x128xi32, #tpu.memory_space<vmem>> -> memref<1x128xi32, #tpu.memory_space<vmem>>
        %dma_wait3A_212 = tpu.memref_squeeze %dma_wait3A_211 : memref<1x128xi32, #tpu.memory_space<vmem>> -> memref<128xi32, #tpu.memory_space<vmem>>
        %dma_wait3A_213 = arith.constant 0 : i32
        %dma_wait3A_214 = arith.constant 0 : i32
        %dma_wait3A_215 = tpu.memref_slice %arg8[%dma_wait3A_213, %dma_wait3A_214] : memref<100096x8xf32, #tpu.memory_space<vmem_shared>> -> memref<100096x8xf32, #tpu.memory_space<vmem_shared>>
        tpu.wait_indirect_dma semaphore(%arg9 : memref<!tpu.dma_semaphore, #tpu.memory_space<semaphore_mem>>) src(%arg7 : memref<128x8xf32, #tpu.memory_space<vmem>>) dst(%dma_wait3A_215 : memref<100096x8xf32, #tpu.memory_space<vmem_shared>>)
        %dma_wait3A_216 = arith.constant 0 : i32
        %dma_wait3A_217 = tpu.memref_slice %arg6[%add3A_110, %dma_wait3A_216] : memref<112x128xi32, #tpu.memory_space<vmem>> -> memref<1x128xi32, #tpu.memory_space<vmem>>
        %dma_wait3A_218 = tpu.memref_squeeze %dma_wait3A_217 : memref<1x128xi32, #tpu.memory_space<vmem>> -> memref<128xi32, #tpu.memory_space<vmem>>
        %dma_wait3A_219 = arith.constant 0 : i32
        %dma_wait3A_220 = arith.constant 0 : i32
        %dma_wait3A_221 = tpu.memref_slice %arg8[%dma_wait3A_219, %dma_wait3A_220] : memref<100096x8xf32, #tpu.memory_space<vmem_shared>> -> memref<100096x8xf32, #tpu.memory_space<vmem_shared>>
        tpu.wait_indirect_dma semaphore(%arg9 : memref<!tpu.dma_semaphore, #tpu.memory_space<semaphore_mem>>) src(%arg7 : memref<128x8xf32, #tpu.memory_space<vmem>>) dst(%dma_wait3A_221 : memref<100096x8xf32, #tpu.memory_space<vmem_shared>>)
        %dma_wait3A_222 = arith.constant 0 : i32
        %dma_wait3A_223 = tpu.memref_slice %arg6[%add3A_118, %dma_wait3A_222] : memref<112x128xi32, #tpu.memory_space<vmem>> -> memref<1x128xi32, #tpu.memory_space<vmem>>
        %dma_wait3A_224 = tpu.memref_squeeze %dma_wait3A_223 : memref<1x128xi32, #tpu.memory_space<vmem>> -> memref<128xi32, #tpu.memory_space<vmem>>
        %dma_wait3A_225 = arith.constant 0 : i32
        %dma_wait3A_226 = arith.constant 0 : i32
        %dma_wait3A_227 = tpu.memref_slice %arg8[%dma_wait3A_225, %dma_wait3A_226] : memref<100096x8xf32, #tpu.memory_space<vmem_shared>> -> memref<100096x8xf32, #tpu.memory_space<vmem_shared>>
        tpu.wait_indirect_dma semaphore(%arg9 : memref<!tpu.dma_semaphore, #tpu.memory_space<semaphore_mem>>) src(%arg7 : memref<128x8xf32, #tpu.memory_space<vmem>>) dst(%dma_wait3A_227 : memref<100096x8xf32, #tpu.memory_space<vmem_shared>>)
        %dma_wait3A_228 = arith.constant 0 : i32
        %dma_wait3A_229 = tpu.memref_slice %arg6[%add3A_126, %dma_wait3A_228] : memref<112x128xi32, #tpu.memory_space<vmem>> -> memref<1x128xi32, #tpu.memory_space<vmem>>
        %dma_wait3A_230 = tpu.memref_squeeze %dma_wait3A_229 : memref<1x128xi32, #tpu.memory_space<vmem>> -> memref<128xi32, #tpu.memory_space<vmem>>
        %dma_wait3A_231 = arith.constant 0 : i32
        %dma_wait3A_232 = arith.constant 0 : i32
        %dma_wait3A_233 = tpu.memref_slice %arg8[%dma_wait3A_231, %dma_wait3A_232] : memref<100096x8xf32, #tpu.memory_space<vmem_shared>> -> memref<100096x8xf32, #tpu.memory_space<vmem_shared>>
        tpu.wait_indirect_dma semaphore(%arg9 : memref<!tpu.dma_semaphore, #tpu.memory_space<semaphore_mem>>) src(%arg7 : memref<128x8xf32, #tpu.memory_space<vmem>>) dst(%dma_wait3A_233 : memref<100096x8xf32, #tpu.memory_space<vmem_shared>>)
        %dma_wait3A_234 = arith.constant 0 : i32
        %dma_wait3A_235 = tpu.memref_slice %arg6[%add3A_134, %dma_wait3A_234] : memref<112x128xi32, #tpu.memory_space<vmem>> -> memref<1x128xi32, #tpu.memory_space<vmem>>
        %dma_wait3A_236 = tpu.memref_squeeze %dma_wait3A_235 : memref<1x128xi32, #tpu.memory_space<vmem>> -> memref<128xi32, #tpu.memory_space<vmem>>
        %dma_wait3A_237 = arith.constant 0 : i32
        %dma_wait3A_238 = arith.constant 0 : i32
        %dma_wait3A_239 = tpu.memref_slice %arg8[%dma_wait3A_237, %dma_wait3A_238] : memref<100096x8xf32, #tpu.memory_space<vmem_shared>> -> memref<100096x8xf32, #tpu.memory_space<vmem_shared>>
        tpu.wait_indirect_dma semaphore(%arg9 : memref<!tpu.dma_semaphore, #tpu.memory_space<semaphore_mem>>) src(%arg7 : memref<128x8xf32, #tpu.memory_space<vmem>>) dst(%dma_wait3A_239 : memref<100096x8xf32, #tpu.memory_space<vmem_shared>>)
        %dma_wait3A_240 = arith.constant 0 : i32
        %dma_wait3A_241 = tpu.memref_slice %arg6[%add3A_142, %dma_wait3A_240] : memref<112x128xi32, #tpu.memory_space<vmem>> -> memref<1x128xi32, #tpu.memory_space<vmem>>
        %dma_wait3A_242 = tpu.memref_squeeze %dma_wait3A_241 : memref<1x128xi32, #tpu.memory_space<vmem>> -> memref<128xi32, #tpu.memory_space<vmem>>
        %dma_wait3A_243 = arith.constant 0 : i32
        %dma_wait3A_244 = arith.constant 0 : i32
        %dma_wait3A_245 = tpu.memref_slice %arg8[%dma_wait3A_243, %dma_wait3A_244] : memref<100096x8xf32, #tpu.memory_space<vmem_shared>> -> memref<100096x8xf32, #tpu.memory_space<vmem_shared>>
        tpu.wait_indirect_dma semaphore(%arg9 : memref<!tpu.dma_semaphore, #tpu.memory_space<semaphore_mem>>) src(%arg7 : memref<128x8xf32, #tpu.memory_space<vmem>>) dst(%dma_wait3A_245 : memref<100096x8xf32, #tpu.memory_space<vmem_shared>>)
        %dma_wait3A_246 = arith.constant 0 : i32
        %dma_wait3A_247 = tpu.memref_slice %arg6[%add3A_150, %dma_wait3A_246] : memref<112x128xi32, #tpu.memory_space<vmem>> -> memref<1x128xi32, #tpu.memory_space<vmem>>
        %dma_wait3A_248 = tpu.memref_squeeze %dma_wait3A_247 : memref<1x128xi32, #tpu.memory_space<vmem>> -> memref<128xi32, #tpu.memory_space<vmem>>
        %dma_wait3A_249 = arith.constant 0 : i32
        %dma_wait3A_250 = arith.constant 0 : i32
        %dma_wait3A_251 = tpu.memref_slice %arg8[%dma_wait3A_249, %dma_wait3A_250] : memref<100096x8xf32, #tpu.memory_space<vmem_shared>> -> memref<100096x8xf32, #tpu.memory_space<vmem_shared>>
        tpu.wait_indirect_dma semaphore(%arg9 : memref<!tpu.dma_semaphore, #tpu.memory_space<semaphore_mem>>) src(%arg7 : memref<128x8xf32, #tpu.memory_space<vmem>>) dst(%dma_wait3A_251 : memref<100096x8xf32, #tpu.memory_space<vmem_shared>>)
        %scan3A_252 = arith.constant 0 : i32
        scf.yield %scan3A_252 : i32
      }
      %scan3A_25 = arith.constant 7 : i32
      scf.yield %scan3A_24 : i32
    }
    %scan3A_10 = arith.constant 7 : i32
    %barrier3A_11 = arith.constant 0 : index
    tpu.barrier barrier_id(%barrier3A_11)
    %mul3A_12 = arith.constant 8 : i32
    %mul3A_13 = arith.muli %arg0, %mul3A_12 : i32
    "tpu.region"() ({
      %run_scoped3A = tpu.sem_alloc : memref<!tpu.dma_semaphore, #tpu.memory_space<semaphore_mem>>
      %dma_start3A = tpu.memref_slice %arg5[%mul3A_4, %mul3A_13] : memref<100096x128xf32, #tpu.memory_space<hbm>> -> memref<6256x8xf32, #tpu.memory_space<hbm>>
      %dma_start3A_14 = arith.constant 0 : i32
      %dma_start3A_15 = tpu.memref_slice %arg8[%mul3A_4, %dma_start3A_14] : memref<100096x8xf32, #tpu.memory_space<vmem_shared>> -> memref<6256x8xf32, #tpu.memory_space<vmem_shared>>
      tpu.enqueue_dma source(%dma_start3A_15 : memref<6256x8xf32, #tpu.memory_space<vmem_shared>>) target(%dma_start3A : memref<6256x8xf32, #tpu.memory_space<hbm>>) target_semaphore(%run_scoped3A : memref<!tpu.dma_semaphore, #tpu.memory_space<semaphore_mem>>)
      %dma_wait3A = tpu.memref_slice %arg5[%mul3A_4, %mul3A_13] : memref<100096x128xf32, #tpu.memory_space<hbm>> -> memref<6256x8xf32, #tpu.memory_space<hbm>>
      %dma_wait3A_16 = arith.constant 0 : i32
      %dma_wait3A_17 = tpu.memref_slice %arg8[%mul3A_4, %dma_wait3A_16] : memref<100096x8xf32, #tpu.memory_space<vmem_shared>> -> memref<6256x8xf32, #tpu.memory_space<vmem_shared>>
      tpu.wait_dma2 semaphore(%run_scoped3A : memref<!tpu.dma_semaphore, #tpu.memory_space<semaphore_mem>>) src(%dma_wait3A_17 : memref<6256x8xf32, #tpu.memory_space<vmem_shared>>) dst(%dma_wait3A : memref<6256x8xf32, #tpu.memory_space<hbm>>)
      tpu.yield
    }) : () -> ()
    return
  }
}

</mosaic_0001>

<sc_bundles>
// kernel: _sc_degree.3.cloned.1.call-start
scs
__scs_entry_jumppad:
0x0: {  	(pc) =	sbr.rel $0x88, $3  }
0x1: {  	(tag) =	ssettag $0x0;
	lr =	simm.s32 $0x1  }
0x2: {  	[smem:$0x3F9E] =	sst lr;
	_ =	strace $0xD0000000  }
0x3: {  	_ = 	snop  }
0x4: {  	_ = 	snop  }
0x5: {  	_ = 	snop  }
0x6: {  	_ = 	snop  }
0x7: {  	_ = 	snop  }
__scs_overlays_trampoline_lowered:
0x8: {  	[smem:$0x3FAD] =	sst s0  }
0x9: {  	[smem:$0x3FAE] =	sst s1  }
0xa: {  	[smem:$0x3FAF] =	sst s2  }
0xb: {  	[smem:$0x3FB0] =	sst s3  }
0xc: {  	[smem:$0x3FB1] =	sst s4  }
0xd: {  	[smem:$0x3FB2] =	sst s5  }
0xe: {  	[smem:$0x3FB3] =	sst s6  }
0xf: {  	[smem:$0x3FB4] =	sst s7  }
0x10: {  	[smem:$0x3FB5] =	sst s8  }
0x11: {  	[smem:$0x3FB6] =	sst s9;
	s0 =	simm.s32 @!p0 $0x0  }
0x12: {  	s1 =	sld [smem:$0x3F9C];
	s0 =	simm.s32 @p0 $0x1  }
0x13: {  	[smem:$0x3FB7] =	sst s0;
	s0 =	simm.s32 @!p1 $0x0  }
0x14: {  	s2 =	sld [smem:$0x3F9B];
	s0 =	simm.s32 @p1 $0x1  }
0x15: {  	[smem:$0x3FB8] =	sst s0;
	s0 =	simm.s32 @!p2 $0x0  }
0x16: {  	s3 =	sld [smem:$0x3FDB];
	s0 =	simm.s32 @p2 $0x1  }
0x17: {  	s4 =	simm.s32 $0x1BF5;
	[smem:$0x3FBA] =	sst s0  }
0x18: {  	s0 =	sld [smem:$0x3F9D];
	_ =	swait.ge [sflag:s4], $0x0  }
0x19: {  	s7 =	sld [smem:$0x3F9E]  }
0x1a: {  	s8 =	sadd.s32 $0xFFFFE003, lr  }
0x1b: {  	s9 =	sadd.s32 $0xFFFFFEF7, lr;
	s5 =	simm.s32 $0xFFFFFFFF;
	p2 =	slt.u32 s8, $0xFFFFF086  }
0x1c: {  	p1 =	slt.u32 s9, $0xF7A;
	s5 =	simm.s32 @!p2 $0x0  }
0x1d: {  	s5 =	simm.s32 @p1 $0x1;
	p0 =	seq.s32 s7, s2  }
0x1e: {  	s7 =	smul.u32 @!p0 $0xF7A, s2;
	p2 =	seq.s32 @!p0 s5, $0x0  }
0x1f: {  	s9 =	smul.u32 $0xF7A, s1;
	s8 =	simm.s32 @!p0 $0x1BF5;
	p2 =	por !p2, p0  }
0x20: {  	[sflag:s8] =	ssyncset.s32 @!p0 $0xFFFFF086;
	s6 =	sadd.s32 @!p0 s3, s7;
	s7 =	simm.s32 @!p0 $0x108  }
0x21: {  	s3 =	sadd.s32 s3, s9;
	s6 =	sadd.s32 @!p0 $0x88, s6;
	s7 =	simm.s32 @p2 $0x1082  }
0x22: {  	[simem:s7], [sflag:s8] =	dma.local @!p0 [hbm:s6], $0xF7A  }
0x23: {  	s9 =	sor.u32 $0xD0000000, s2;
	s6 =	simm.s32 $0x108;
	_ =	swait.ge @!p0 [sflag:s8], $0x0  }
0x24: {  	s3 =	sadd.s32 $0x88, s3;
	s6 =	simm.s32 @!p1 $0x1082;
	[sflag:s4] =	ssyncset.s32 $0xFFFFF086  }
0x25: {  	[simem:s6], [sflag:s4] =	dma.local [hbm:s3], $0xF7A  }
0x26: {  	[smem:$0x3F9E] =	sst s1;
	(tag) =	ssettag s2;
	_ =	strace s9  }
0x27: {  	s1 =	sld [smem:$0x3FAE]  }
0x28: {  	s2 =	sld [smem:$0x3FAF]  }
0x29: {  	s4 =	sld [smem:$0x3FB1]  }
0x2a: {  	p0 =	seq.s32 s5, $0x0;
	s5 =	sld [smem:$0x3FB2]  }
0x2b: {  	s6 =	sld [smem:$0x3FB3]  }
0x2c: {  	s7 =	sld [smem:$0x3FB4]  }
0x2d: {  	s3 =	simm.s32 $0x108;
	s8 =	sld [smem:$0x3FB5]  }
0x2e: {  	s3 =	simm.s32 @!p0 $0x1082;
	s9 =	sld [smem:$0x3FB6]  }
0x2f: {  	lr =	sadd.s32 s0, s3;
	s0 =	sld [smem:$0x3FAD]  }
0x30: {  	s3 =	sld [smem:$0x3FB0]  }
0x31: {  	[smem:$0x3FB9] =	sst s10  }
0x32: {  	s10 =	sld [smem:$0x3FB7];
	_ =	sdelay $0x3  }
0x33: {  	p0 =	seq.s32 s10, $0x1;
	s10 =	sld [smem:$0x3FB9];
	_ =	sdelay $0x3  }
0x34: {  	[smem:$0x3FB9] =	sst s10  }
0x35: {  	s10 =	sld [smem:$0x3FB8];
	_ =	sdelay $0x3  }
0x36: {  	p1 =	seq.s32 s10, $0x1;
	s10 =	sld [smem:$0x3FB9];
	_ =	sdelay $0x3  }
0x37: {  	[smem:$0x3FB9] =	sst s10  }
0x38: {  	s10 =	sld [smem:$0x3FBA]  }
0x39: {  	_ = 	snop;
	(pc) =	sbr.ind lr, $3  }
0x3a: {  	_ = 	snop  }
0x3b: {  	_ = 	snop  }
0x3c: {  	p2 =	seq.s32 s10, $0x1;
	s10 =	sld [smem:$0x3FB9]  }
0x3d: {  	_ =	shalt  }
0x3e: {  	_ =	shalt  }
0x3f: {  	_ =	shalt  }
0x40: {  	_ =	shalt  }
0x41: {  	_ =	shalt  }
0x42: {  	_ =	shalt  }
0x43: {  	_ =	shalt  }
0x44: {  	_ =	shalt  }
0x45: {  	_ =	shalt  }
0x46: {  	_ =	shalt  }
0x47: {  	_ =	shalt  }
0x48: {  	_ =	shalt  }
0x49: {  	_ =	shalt  }
0x4a: {  	_ =	shalt  }
0x4b: {  	_ =	shalt  }
0x4c: {  	_ =	shalt  }
0x4d: {  	_ =	shalt  }
0x4e: {  	_ =	shalt  }
0x4f: {  	_ =	shalt  }
0x50: {  	_ =	shalt  }
0x51: {  	_ =	shalt  }
0x52: {  	_ =	shalt  }
0x53: {  	_ =	shalt  }
0x54: {  	_ =	shalt  }
0x55: {  	_ =	shalt  }
0x56: {  	_ =	shalt  }
0x57: {  	_ =	shalt  }
0x58: {  	_ =	shalt  }
0x59: {  	_ =	shalt  }
0x5a: {  	_ =	shalt  }
0x5b: {  	_ =	shalt  }
0x5c: {  	_ =	shalt  }
0x5d: {  	_ =	shalt  }
0x5e: {  	_ =	shalt  }
0x5f: {  	_ =	shalt  }
0x60: {  	_ =	shalt  }
0x61: {  	_ =	shalt  }
0x62: {  	_ =	shalt  }
0x63: {  	_ =	shalt  }
0x64: {  	_ =	shalt  }
0x65: {  	_ =	shalt  }
0x66: {  	_ =	shalt  }
0x67: {  	_ =	shalt  }
0x68: {  	_ =	shalt  }
0x69: {  	_ =	shalt  }
0x6a: {  	_ =	shalt  }
0x6b: {  	_ =	shalt  }
0x6c: {  	_ =	shalt  }
0x6d: {  	_ =	shalt  }
0x6e: {  	_ =	shalt  }
0x6f: {  	_ =	shalt  }
0x70: {  	_ =	shalt  }
0x71: {  	_ =	shalt  }
0x72: {  	_ =	shalt  }
0x73: {  	_ =	shalt  }
0x74: {  	_ =	shalt  }
0x75: {  	_ =	shalt  }
0x76: {  	_ =	shalt  }
0x77: {  	_ =	shalt  }
0x78: {  	_ =	shalt  }
0x79: {  	_ =	shalt  }
0x7a: {  	_ =	shalt  }
0x7b: {  	_ =	shalt  }
0x7c: {  	_ =	shalt  }
0x7d: {  	_ =	shalt  }
0x7e: {  	_ =	shalt  }
0x7f: {  	_ =	shalt  }
0x80: {  	_ =	shalt  }
0x81: {  	_ =	shalt  }
0x82: {  	_ =	shalt  }
0x83: {  	_ =	shalt  }
0x84: {  	_ =	shalt  }
0x85: {  	_ =	shalt  }
0x86: {  	_ =	shalt  }
0x87: {  	_ =	shalt  }
.Lfunc_end0:
.L_simem_size_0:
called_computation_lowered:
.L_overlay_start_0:
0x88: {  	s2 =	sld [smem:$0x3FD9]  }
0x89: {  	s3 =	sld [smem:$0x3FFE];
	_ =	sdelay $0x1  }
0x8a: {  	s1 =	srdreg.scid  }
0x8b: {  	s0 =	sand.u32 $0x1, s1  }
0x8c: {  	s17 =	sshll.u32 s0, $0xA;
	s2 =	sadd.s32 s3, s2  }
0x8d: {  	s2 =	sadd.s32 s2, s17  }
0x8e: {  	[smem:$0x3FC5] =	sst s2  }
0x8f: {  	_ = 	snop  }
0x90: {  	s2 =	sld [smem:$0x3FC9]  }
0x91: {  	s18 =	sld [smem:$0x3FD0];
	(tm) =	ssettm $0x1  }
0x92: {  	s4 =	sld [smem:$0x3FFB];
	_ =	sdelay $0x3  }
0x93: {  	_ =	strace s4  }
0x94: {  	s4 =	sld [smem:$0x3FFC];
	_ =	sdelay $0x3  }
0x95: {  	_ =	strace s4  }
0x96: {  	s4 =	sld [smem:$0x3FFD];
	_ =	sdelay $0x3  }
0x97: {  	_ =	strace s4  }
0x98: {  	_ =	strace $0x8FFFFFFF  }
0x99: {  	s19 =	sld [smem:$0x3FDB];
	_ =	sdelay $0x1  }
0x9a: {  	s5 =	simm.s32 $_scs_section_size  }
0x9b: {  	s6 =	simm.s32 $_size__tile_overlayer_lowered;
	s7 =	simm.s32 $_tile_overlayer_lowered  }
0x9c: {  	s22 =	simm.s32 $0x1BFF;
	s21 =	sshll.u32 s7, $0x1;
	s4 =	sadd.s32 s5, s19  }
0x9d: {  	s8 =	simm.s32 $0x0;
	s20 =	sshll.u32 s6, $0x1;
	s6 =	sadd.s32 s21, s4  }
0x9e: {  	[timem:s8], [sflag:s22] =	dma.local [hbm:s6], s20  }
0x9f: {  	_ =	swait.ge [sflag:s22], s20  }
0xa0: {  	s5 =	ssub.s32 $0x0, s20;
	[sflag:s22] =	ssyncset.done $0x0  }
0xa1: {  	[sflag:s22] =	ssyncadd.s32 s5;
	_ =	sdelay $0x1  }
0xa2: {  	s23 =	simm.s32 $0x1B8B  }
0xa3: {  	_ =	swait.ge [sflag:s23], $0x1  }
0xa4: {  	[sflag:s23] =	ssyncset.done $0x0  }
0xa5: {  	s25 =	simm.s32 $0x1B8E;
	s24 =	sld [smem:$0x3FFE];
	[sflag:s23] =	ssyncadd.s32 $0xFFFFFFFF  }
0xa6: {  	s26 =	simm.s32 $execute0_lowered;
	[smem:$0x3FD2] =	sst s25  }
0xa7: {  	s6 =	sshll.u32 s26, $0x1;
	_ =	strace $0x80000046;
	[dreg:$0x1] =	wrdreg $0xFFFFFFFF  }
0xa8: {  	s28 =	simm.s32 $_size_execute0_lowered;
	s4 =	sadd.s32 s4, s6;
	[dreg:$0x0] =	wrdreg $0x0  }
0xa9: {  	s6 =	sshll.u32 s28, $0x1;
	[dreg:$0x2] =	wrdreg s4  }
0xaa: {  	[dreg:$0x3] =	wrdreg s6  }
0xab: {  	[dreg:$0x4] =	wrdreg $0xC0  }
0xac: {  	_ =	task [dreg:s8], $0x5FFFF  }
0xad: {  	[dreg:$0x1] =	wrdreg $0xFFFFFFFF  }
0xae: {  	[dreg:$0x0] =	wrdreg $0x60  }
0xaf: {  	[dreg:$0x2] =	wrdreg s2  }
0xb0: {  	[dreg:$0x3] =	wrdreg s24  }
0xb1: {  	[dreg:$0x4] =	wrdreg s18  }
0xb2: {  	[dreg:$0x5] =	wrdreg $0x3C000  }
0xb3: {  	[dreg:$0x6] =	wrdreg $0x9  }
0xb4: {  	_ =	task.clear_ibuf [dreg:s8], $0x7FFFF;
	_ =	strace $0x90000046  }
0xb5: {  	s29 =	simm.s32 $0x9;
	_ =	strace $0x80000048  }
0xb6: {  	_ =	swait.ge [sflag:s29], $0x1  }
0xb7: {  	[sflag:s29] =	ssyncadd.s32 $0xFFFFFFFF  }
0xb8: {  	_ =	strace $0x90000048  }
0xb9: {  	_ =	sfence  }
0xba: {  	s30 =	sld [smem:$0x0];
	_ =	sdelay $0x2  }
0xbb: {  	s31 =	sshll.u32 s1, $0xD;
	s1 =	sshrl.u32 s1, $0x2  }
0xbc: {  	s3 =	sand.u32 $0x4000, s31;
	s1 =	sadd.s32 s1, s30  }
0xbd: {  	s0 =	sor.u32 s3, s0;
	s1 =	sshll.u32 s1, $0x11  }
0xbe: {  	s0 =	sor.u32 s1, s0  }
0xbf: {  	s0 =	sadd.s32 $0x8F2B, s0  }
0xc0: {  	[sflag:s0] =	ssyncadd.remote.s32 $0x1  }
0xc1: {  	_ =	sfence.sel $0xFFFF  }
0xc2: {  	[dreg:$0x0] =	wrdreg $0xFFFFFFFF;
	(pc) =	sbr.abs _section_cstart, $3  }
0xc3: {  	[dreg:$0x1] =	wrdreg $0xFFFFFFFF  }
0xc4: {  	_ =	task.clear_ibuf [dreg:s8], $0x2FFFF;
	_ =	strace $0x9FFFFFFF  }
0xc5: {  	(tm) =	ssettm $0x7FFFFFFF  }
tec
execute0_lowered:
.L_overlay_start_1:
0x0: {  	(tag) =	ssettag $0x1  }
0x1: {  	s1 =	rddreg [dreg:$0x0]  }
0x2: {  	s6 =	rddreg [dreg:$0x1]  }
0x3: {  	s7 =	rddreg [dreg:$0x2]  }
0x4: {  	s3 =	rddreg [dreg:$0x3]  }
0x5: {  	s0 =	rddreg [dreg:$0x4];
	s4 =	simm.s32 $0x0  }
0x6: {  	s2 =	stileid.u32;
	s5 =	srdreg.scid;
	s14 =	simm.s32 $0x80  }
0x7: {  	s15 =	simm.s32 $0x1;
	s16 =	simm.s32 $0x10;
	s17 =	simm.s32 $0x0  }
0x8: {  	[smem:$0x7FF] =	sst s4;
	s8 =	smul.u32 $0xC380, s2;
	s9 =	sand.u32 $0x1, s5  }
0x9: {  	s5 =	sadd.s32 $0x400, s6;
	s29 =	smul.u32 $0x18700, s2;
	s31 =	sshll.u32 s2, $0x6  }
0xa: {  	_ =	strace $0x80000047;
	s11 =	ssub.s32 $0x2, s9;
	s12 =	sshll.u32 s9, $0x4  }
0xb: {  	s30 =	sadd.s32 s7, s9;
	s10 =	sshrl.u32 s8, $0x3;
	s26 =	sshrl.u32 s11, $0x1  }
0xc: {  	s28 =	sor.u32 s2, s12;
	s13 =	sadd.s32 s8, s3;
	s8 =	sadd.s32 s29, s30  }
0xd: {  	s12 =	sor.u32 $0x1C02, s31;
	s10 =	sadd.s32 s10, s6;
	s11 =	ssub.s32 s11, s26  }
0xe: {  	s6 =	smul.u32 $0x310, s28;
	s13 =	sshrl.u32 s13, $0x3;
	s7 =	sadd.s32 $0x600, s10  }
0xf: {  	s9 =	smax.u32 s11, $0x1;
	s10 =	simm.s32 $0x3800;
	s11 =	simm.s32 $0x2  }
.LBB2_1:
0x10: {  	[tilespmem:s10], [sflag:$0x2] =	stream.linear.gather [hbm4b:s5+s4], $0x400, $0x38;
	[tilespmem:$0xFF80] =	vst v63  }
0x11: {  	_ =	swait.ge [sflag:s11], $0x400  }
0x12: {  	[sflag:s11] =	ssyncset.done $0x0  }
0x13: {  	[sflag:s11] =	ssyncadd.s32 $0xFFFFFC00  }
0x14: {  	[spmem:s13], [sflag:s12] =	dma.local [hbm:s7], $0x1870  }
0x15: {  	_ =	swait.ge [sflag:s11], $0x1870  }
0x16: {  	[sflag:s11] =	ssyncset.done $0x0  }
0x17: {  	[sflag:s11] =	ssyncadd.s32 $0xFFFFE790  }
0x18: {  	s18 =	simm.s32 $0x0;
	[bflag:$0x0] =	sbarrier.arrive $0xFFFF  }
.LBB2_2:
0x19: {  	s19 =	smul.u32 $0x70, s18;
	_ =	sdelay $0x1  }
0x1a: {  	s19 =	sadd.s32 s6, s19  }
0x1b: {  	s19 =	sshll.u32 s19, $0x4  }
0x1c: {  	s20 =	simm.s32 $0x0;
	s19 =	sadd.s32 s1, s19  }
0x1d: {  	[tilespmem:s20], [sflag:$0x2] =	stream.linear.gather [hbm4b:s19+s20], $0x3800, $0x38;
	[tilespmem:$0xFF80] =	vst v63  }
0x1e: {  	_ =	swait.ge [sflag:s11], $0x3800  }
0x1f: {  	[sflag:s11] =	ssyncset.done $0x0  }
0x20: {  	s26 =	simm.s32 $0x0;
	[sflag:s11] =	ssyncadd.s32 $0xFFFFC800  }
0x21: {  	[spmem:s3] =	stream.indirect.scatter.add.f32 [tilespmem:s10], [sflag:$0x1], $0x8, s26, s14, $0xb8;
	[tilespmem:$0xFF80] =	vst v63  }
0x22: {  	s28 =	simm.s32 $0x80  }
0x23: {  	[spmem:s3] =	stream.indirect.scatter.add.f32 [tilespmem:s10], [sflag:$0x1], $0x8, s28, s14, $0xb8;
	[tilespmem:$0xFF80] =	vst v63  }
0x24: {  	s29 =	simm.s32 $0x100  }
0x25: {  	[spmem:s3] =	stream.indirect.scatter.add.f32 [tilespmem:s10], [sflag:$0x1], $0x8, s29, s14, $0xb8;
	[tilespmem:$0xFF80] =	vst v63  }
0x26: {  	s30 =	simm.s32 $0x180  }
0x27: {  	[spmem:s3] =	stream.indirect.scatter.add.f32 [tilespmem:s10], [sflag:$0x1], $0x8, s30, s14, $0xb8;
	[tilespmem:$0xFF80] =	vst v63  }
0x28: {  	s31 =	simm.s32 $0x200  }
0x29: {  	[spmem:s3] =	stream.indirect.scatter.add.f32 [tilespmem:s10], [sflag:$0x1], $0x8, s31, s14, $0xb8;
	[tilespmem:$0xFF80] =	vst v63  }
0x2a: {  	s20 =	simm.s32 $0x280  }
0x2b: {  	[spmem:s3] =	stream.indirect.scatter.add.f32 [tilespmem:s10], [sflag:$0x1], $0x8, s20, s14, $0xb8;
	[tilespmem:$0xFF80] =	vst v63  }
0x2c: {  	s21 =	simm.s32 $0x300  }
0x2d: {  	[spmem:s3] =	stream.indirect.scatter.add.f32 [tilespmem:s10], [sflag:$0x1], $0x8, s21, s14, $0xb8;
	[tilespmem:$0xFF80] =	vst v63  }
0x2e: {  	s22 =	simm.s32 $0x380  }
0x2f: {  	[spmem:s3] =	stream.indirect.scatter.add.f32 [tilespmem:s10], [sflag:$0x1], $0x8, s22, s14, $0xb8;
	[tilespmem:$0xFF80] =	vst v63  }
0x30: {  	s23 =	simm.s32 $0x400  }
0x31: {  	[spmem:s3] =	stream.indirect.scatter.add.f32 [tilespmem:s10], [sflag:$0x1], $0x8, s23, s14, $0xb8;
	[tilespmem:$0xFF80] =	vst v63  }
0x32: {  	s24 =	simm.s32 $0x480  }
0x33: {  	[spmem:s3] =	stream.indirect.scatter.add.f32 [tilespmem:s10], [sflag:$0x1], $0x8, s24, s14, $0xb8;
	[tilespmem:$0xFF80] =	vst v63  }
0x34: {  	s25 =	simm.s32 $0x500  }
0x35: {  	[spmem:s3] =	stream.indirect.scatter.add.f32 [tilespmem:s10], [sflag:$0x1], $0x8, s25, s14, $0xb8;
	[tilespmem:$0xFF80] =	vst v63  }
0x36: {  	s26 =	simm.s32 $0x580  }
0x37: {  	[spmem:s3] =	stream.indirect.scatter.add.f32 [tilespmem:s10], [sflag:$0x1], $0x8, s26, s14, $0xb8;
	[tilespmem:$0xFF80] =	vst v63  }
0x38: {  	s28 =	simm.s32 $0x600  }
0x39: {  	[spmem:s3] =	stream.indirect.scatter.add.f32 [tilespmem:s10], [sflag:$0x1], $0x8, s28, s14, $0xb8;
	[tilespmem:$0xFF80] =	vst v63  }
0x3a: {  	s29 =	simm.s32 $0x680  }
0x3b: {  	[spmem:s3] =	stream.indirect.scatter.add.f32 [tilespmem:s10], [sflag:$0x1], $0x8, s29, s14, $0xb8;
	[tilespmem:$0xFF80] =	vst v63  }
0x3c: {  	s30 =	simm.s32 $0x700  }
0x3d: {  	[spmem:s3] =	stream.indirect.scatter.add.f32 [tilespmem:s10], [sflag:$0x1], $0x8, s30, s14, $0xb8;
	[tilespmem:$0xFF80] =	vst v63  }
0x3e: {  	s31 =	simm.s32 $0x780  }
0x3f: {  	[spmem:s3] =	stream.indirect.scatter.add.f32 [tilespmem:s10], [sflag:$0x1], $0x8, s31, s14, $0xb8;
	[tilespmem:$0xFF80] =	vst v63  }
0x40: {  	_ =	swait.ge [sflag:s15], $0x400  }
0x41: {  	[sflag:s15] =	ssyncset.done $0x0  }
0x42: {  	[sflag:s15] =	ssyncadd.s32 $0xFFFFFC00  }
0x43: {  	_ =	swait.ge [sflag:s15], $0x400  }
0x44: {  	[sflag:s15] =	ssyncset.done $0x0  }
0x45: {  	[sflag:s15] =	ssyncadd.s32 $0xFFFFFC00  }
0x46: {  	_ =	swait.ge [sflag:s15], $0x400  }
0x47: {  	[sflag:s15] =	ssyncset.done $0x0  }
0x48: {  	[sflag:s15] =	ssyncadd.s32 $0xFFFFFC00  }
0x49: {  	_ =	swait.ge [sflag:s15], $0x400  }
0x4a: {  	[sflag:s15] =	ssyncset.done $0x0  }
0x4b: {  	[sflag:s15] =	ssyncadd.s32 $0xFFFFFC00  }
0x4c: {  	_ =	swait.ge [sflag:s15], $0x400  }
0x4d: {  	[sflag:s15] =	ssyncset.done $0x0  }
0x4e: {  	[sflag:s15] =	ssyncadd.s32 $0xFFFFFC00  }
0x4f: {  	_ =	swait.ge [sflag:s15], $0x400  }
0x50: {  	[sflag:s15] =	ssyncset.done $0x0  }
0x51: {  	[sflag:s15] =	ssyncadd.s32 $0xFFFFFC00  }
0x52: {  	_ =	swait.ge [sflag:s15], $0x400  }
0x53: {  	[sflag:s15] =	ssyncset.done $0x0  }
0x54: {  	[sflag:s15] =	ssyncadd.s32 $0xFFFFFC00  }
0x55: {  	_ =	swait.ge [sflag:s15], $0x400  }
0x56: {  	[sflag:s15] =	ssyncset.done $0x0  }
0x57: {  	[sflag:s15] =	ssyncadd.s32 $0xFFFFFC00  }
0x58: {  	_ =	swait.ge [sflag:s15], $0x400  }
0x59: {  	[sflag:s15] =	ssyncset.done $0x0  }
0x5a: {  	[sflag:s15] =	ssyncadd.s32 $0xFFFFFC00  }
0x5b: {  	_ =	swait.ge [sflag:s15], $0x400  }
0x5c: {  	[sflag:s15] =	ssyncset.done $0x0  }
0x5d: {  	[sflag:s15] =	ssyncadd.s32 $0xFFFFFC00  }
0x5e: {  	_ =	swait.ge [sflag:s15], $0x400  }
0x5f: {  	[sflag:s15] =	ssyncset.done $0x0  }
0x60: {  	[sflag:s15] =	ssyncadd.s32 $0xFFFFFC00  }
0x61: {  	_ =	swait.ge [sflag:s15], $0x400  }
0x62: {  	[sflag:s15] =	ssyncset.done $0x0  }
0x63: {  	[sflag:s15] =	ssyncadd.s32 $0xFFFFFC00  }
0x64: {  	_ =	swait.ge [sflag:s15], $0x400  }
0x65: {  	[sflag:s15] =	ssyncset.done $0x0  }
0x66: {  	[sflag:s15] =	ssyncadd.s32 $0xFFFFFC00  }
0x67: {  	_ =	swait.ge [sflag:s15], $0x400  }
0x68: {  	[sflag:s15] =	ssyncset.done $0x0  }
0x69: {  	[sflag:s15] =	ssyncadd.s32 $0xFFFFFC00  }
0x6a: {  	_ =	swait.ge [sflag:s15], $0x400  }
0x6b: {  	[sflag:s15] =	ssyncset.done $0x0  }
0x6c: {  	[sflag:s15] =	ssyncadd.s32 $0xFFFFFC00  }
0x6d: {  	_ =	swait.ge [sflag:s15], $0x400  }
0x6e: {  	s19 =	simm.s32 $0x2000;
	s22 =	simm.s32 $0x4000;
	[sflag:s15] =	ssyncset.done $0x0  }
.LBB2_3:
0x6f: {  	s21 =	sshra.s32 s19, $0x2  }
0x70: {  	[sflag:s15] =	ssyncadd.s32 $0xFFFFFC00;
	s19 =	smov.u32 s22;
	s20 =	sadd.s32 $0x2000, s22  }
0x71: {  	[spmem:s3] =	stream.indirect.scatter.add.f32 [tilespmem:s10], [sflag:$0x1], $0x8, s21, s14, $0xb8;
	[tilespmem:$0xFF80] =	vst v63  }
0x72: {  	p0 =	sne.s32 s22, $0xC000;
	s22 =	sadd.s32 $0x80, s21  }
0x73: {  	[spmem:s3] =	stream.indirect.scatter.add.f32 [tilespmem:s10], [sflag:$0x1], $0x8, s22, s14, $0xb8;
	[tilespmem:$0xFF80] =	vst v63  }
0x74: {  	s22 =	sadd.s32 $0x100, s21  }
0x75: {  	[spmem:s3] =	stream.indirect.scatter.add.f32 [tilespmem:s10], [sflag:$0x1], $0x8, s22, s14, $0xb8;
	[tilespmem:$0xFF80] =	vst v63  }
0x76: {  	s22 =	sadd.s32 $0x180, s21  }
0x77: {  	[spmem:s3] =	stream.indirect.scatter.add.f32 [tilespmem:s10], [sflag:$0x1], $0x8, s22, s14, $0xb8;
	[tilespmem:$0xFF80] =	vst v63  }
0x78: {  	s22 =	sadd.s32 $0x200, s21  }
0x79: {  	[spmem:s3] =	stream.indirect.scatter.add.f32 [tilespmem:s10], [sflag:$0x1], $0x8, s22, s14, $0xb8;
	[tilespmem:$0xFF80] =	vst v63  }
0x7a: {  	s22 =	sadd.s32 $0x280, s21  }
0x7b: {  	[spmem:s3] =	stream.indirect.scatter.add.f32 [tilespmem:s10], [sflag:$0x1], $0x8, s22, s14, $0xb8;
	[tilespmem:$0xFF80] =	vst v63  }
0x7c: {  	s22 =	sadd.s32 $0x300, s21  }
0x7d: {  	[spmem:s3] =	stream.indirect.scatter.add.f32 [tilespmem:s10], [sflag:$0x1], $0x8, s22, s14, $0xb8;
	[tilespmem:$0xFF80] =	vst v63  }
0x7e: {  	s22 =	sadd.s32 $0x380, s21  }
0x7f: {  	[spmem:s3] =	stream.indirect.scatter.add.f32 [tilespmem:s10], [sflag:$0x1], $0x8, s22, s14, $0xb8;
	[tilespmem:$0xFF80] =	vst v63  }
0x80: {  	s22 =	sadd.s32 $0x400, s21  }
0x81: {  	[spmem:s3] =	stream.indirect.scatter.add.f32 [tilespmem:s10], [sflag:$0x1], $0x8, s22, s14, $0xb8;
	[tilespmem:$0xFF80] =	vst v63  }
0x82: {  	s22 =	sadd.s32 $0x480, s21  }
0x83: {  	[spmem:s3] =	stream.indirect.scatter.add.f32 [tilespmem:s10], [sflag:$0x1], $0x8, s22, s14, $0xb8;
	[tilespmem:$0xFF80] =	vst v63  }
0x84: {  	s22 =	sadd.s32 $0x500, s21  }
0x85: {  	[spmem:s3] =	stream.indirect.scatter.add.f32 [tilespmem:s10], [sflag:$0x1], $0x8, s22, s14, $0xb8;
	[tilespmem:$0xFF80] =	vst v63  }
0x86: {  	s22 =	sadd.s32 $0x580, s21  }
0x87: {  	[spmem:s3] =	stream.indirect.scatter.add.f32 [tilespmem:s10], [sflag:$0x1], $0x8, s22, s14, $0xb8;
	[tilespmem:$0xFF80] =	vst v63  }
0x88: {  	s22 =	sadd.s32 $0x600, s21  }
0x89: {  	[spmem:s3] =	stream.indirect.scatter.add.f32 [tilespmem:s10], [sflag:$0x1], $0x8, s22, s14, $0xb8;
	[tilespmem:$0xFF80] =	vst v63  }
0x8a: {  	s22 =	sadd.s32 $0x680, s21  }
0x8b: {  	[spmem:s3] =	stream.indirect.scatter.add.f32 [tilespmem:s10], [sflag:$0x1], $0x8, s22, s14, $0xb8;
	[tilespmem:$0xFF80] =	vst v63  }
0x8c: {  	s22 =	sadd.s32 $0x700, s21  }
0x8d: {  	[spmem:s3] =	stream.indirect.scatter.add.f32 [tilespmem:s10], [sflag:$0x1], $0x8, s22, s14, $0xb8;
	[tilespmem:$0xFF80] =	vst v63  }
0x8e: {  	s21 =	sadd.s32 $0x780, s21  }
0x8f: {  	[spmem:s3] =	stream.indirect.scatter.add.f32 [tilespmem:s10], [sflag:$0x1], $0x8, s21, s14, $0xb8;
	[tilespmem:$0xFF80] =	vst v63  }
0x90: {  	_ =	swait.ge [sflag:s15], $0x400  }
0x91: {  	[sflag:s15] =	ssyncset.done $0x0  }
0x92: {  	[sflag:s15] =	ssyncadd.s32 $0xFFFFFC00  }
0x93: {  	_ =	swait.ge [sflag:s15], $0x400  }
0x94: {  	[sflag:s15] =	ssyncset.done $0x0  }
0x95: {  	[sflag:s15] =	ssyncadd.s32 $0xFFFFFC00  }
0x96: {  	_ =	swait.ge [sflag:s15], $0x400  }
0x97: {  	[sflag:s15] =	ssyncset.done $0x0  }
0x98: {  	[sflag:s15] =	ssyncadd.s32 $0xFFFFFC00  }
0x99: {  	_ =	swait.ge [sflag:s15], $0x400  }
0x9a: {  	[sflag:s15] =	ssyncset.done $0x0  }
0x9b: {  	[sflag:s15] =	ssyncadd.s32 $0xFFFFFC00  }
0x9c: {  	_ =	swait.ge [sflag:s15], $0x400  }
0x9d: {  	[sflag:s15] =	ssyncset.done $0x0  }
0x9e: {  	[sflag:s15] =	ssyncadd.s32 $0xFFFFFC00  }
0x9f: {  	_ =	swait.ge [sflag:s15], $0x400  }
0xa0: {  	[sflag:s15] =	ssyncset.done $0x0  }
0xa1: {  	[sflag:s15] =	ssyncadd.s32 $0xFFFFFC00  }
0xa2: {  	_ =	swait.ge [sflag:s15], $0x400  }
0xa3: {  	[sflag:s15] =	ssyncset.done $0x0  }
0xa4: {  	[sflag:s15] =	ssyncadd.s32 $0xFFFFFC00  }
0xa5: {  	_ =	swait.ge [sflag:s15], $0x400  }
0xa6: {  	[sflag:s15] =	ssyncset.done $0x0  }
0xa7: {  	[sflag:s15] =	ssyncadd.s32 $0xFFFFFC00  }
0xa8: {  	_ =	swait.ge [sflag:s15], $0x400  }
0xa9: {  	[sflag:s15] =	ssyncset.done $0x0  }
0xaa: {  	[sflag:s15] =	ssyncadd.s32 $0xFFFFFC00  }
0xab: {  	_ =	swait.ge [sflag:s15], $0x400  }
0xac: {  	[sflag:s15] =	ssyncset.done $0x0  }
0xad: {  	[sflag:s15] =	ssyncadd.s32 $0xFFFFFC00  }
0xae: {  	_ =	swait.ge [sflag:s15], $0x400  }
0xaf: {  	[sflag:s15] =	ssyncset.done $0x0  }
0xb0: {  	[sflag:s15] =	ssyncadd.s32 $0xFFFFFC00  }
0xb1: {  	_ =	swait.ge [sflag:s15], $0x400  }
0xb2: {  	[sflag:s15] =	ssyncset.done $0x0  }
0xb3: {  	[sflag:s15] =	ssyncadd.s32 $0xFFFFFC00  }
0xb4: {  	_ =	swait.ge [sflag:s15], $0x400  }
0xb5: {  	[sflag:s15] =	ssyncset.done $0x0  }
0xb6: {  	[sflag:s15] =	ssyncadd.s32 $0xFFFFFC00  }
0xb7: {  	_ =	swait.ge [sflag:s15], $0x400  }
0xb8: {  	[sflag:s15] =	ssyncset.done $0x0  }
0xb9: {  	[sflag:s15] =	ssyncadd.s32 $0xFFFFFC00  }
.Ltmp0:
0xba: {  	_ =	swait.ge [sflag:s15], $0x400;
	(pc) =	sbr.rel @p0 .LBB2_3-.Ltmp0, $4  }
0xbb: {  	[sflag:s15] =	ssyncset.done $0x0  }
0xbc: {  	[sflag:s15] =	ssyncadd.s32 $0xFFFFFC00  }
0xbd: {  	_ =	swait.ge [sflag:s15], $0x400  }
0xbe: {  	s22 =	smov.u32 s20;
	[sflag:s15] =	ssyncset.done $0x0  }
0xbf: {  	s19 =	sshra.s32 s19, $0x2;
	[sflag:s15] =	ssyncadd.s32 $0xFFFFFC00  }
0xc0: {  	[spmem:s3] =	stream.indirect.scatter.add.f32 [tilespmem:s10], [sflag:$0x1], $0x8, s19, s14, $0xb8;
	[tilespmem:$0xFF80] =	vst v63  }
0xc1: {  	s20 =	sadd.s32 $0x80, s19  }
0xc2: {  	[spmem:s3] =	stream.indirect.scatter.add.f32 [tilespmem:s10], [sflag:$0x1], $0x8, s20, s14, $0xb8;
	[tilespmem:$0xFF80] =	vst v63  }
0xc3: {  	s29 =	sadd.s32 $0x100, s19  }
0xc4: {  	[spmem:s3] =	stream.indirect.scatter.add.f32 [tilespmem:s10], [sflag:$0x1], $0x8, s29, s14, $0xb8;
	[tilespmem:$0xFF80] =	vst v63  }
0xc5: {  	s30 =	sadd.s32 $0x180, s19  }
0xc6: {  	[spmem:s3] =	stream.indirect.scatter.add.f32 [tilespmem:s10], [sflag:$0x1], $0x8, s30, s14, $0xb8;
	[tilespmem:$0xFF80] =	vst v63  }
0xc7: {  	s31 =	sadd.s32 $0x200, s19  }
0xc8: {  	[spmem:s3] =	stream.indirect.scatter.add.f32 [tilespmem:s10], [sflag:$0x1], $0x8, s31, s14, $0xb8;
	[tilespmem:$0xFF80] =	vst v63  }
0xc9: {  	s21 =	sadd.s32 $0x280, s19  }
0xca: {  	[spmem:s3] =	stream.indirect.scatter.add.f32 [tilespmem:s10], [sflag:$0x1], $0x8, s21, s14, $0xb8;
	[tilespmem:$0xFF80] =	vst v63  }
0xcb: {  	s22 =	sadd.s32 $0x300, s19  }
0xcc: {  	[spmem:s3] =	stream.indirect.scatter.add.f32 [tilespmem:s10], [sflag:$0x1], $0x8, s22, s14, $0xb8;
	[tilespmem:$0xFF80] =	vst v63  }
0xcd: {  	s23 =	sadd.s32 $0x380, s19  }
0xce: {  	[spmem:s3] =	stream.indirect.scatter.add.f32 [tilespmem:s10], [sflag:$0x1], $0x8, s23, s14, $0xb8;
	[tilespmem:$0xFF80] =	vst v63  }
0xcf: {  	s24 =	sadd.s32 $0x400, s19  }
0xd0: {  	[spmem:s3] =	stream.indirect.scatter.add.f32 [tilespmem:s10], [sflag:$0x1], $0x8, s24, s14, $0xb8;
	[tilespmem:$0xFF80] =	vst v63  }
0xd1: {  	s25 =	sadd.s32 $0x480, s19  }
0xd2: {  	[spmem:s3] =	stream.indirect.scatter.add.f32 [tilespmem:s10], [sflag:$0x1], $0x8, s25, s14, $0xb8;
	[tilespmem:$0xFF80] =	vst v63  }
0xd3: {  	s26 =	sadd.s32 $0x500, s19  }
0xd4: {  	[spmem:s3] =	stream.indirect.scatter.add.f32 [tilespmem:s10], [sflag:$0x1], $0x8, s26, s14, $0xb8;
	[tilespmem:$0xFF80] =	vst v63  }
0xd5: {  	s28 =	sadd.s32 $0x580, s19  }
0xd6: {  	[spmem:s3] =	stream.indirect.scatter.add.f32 [tilespmem:s10], [sflag:$0x1], $0x8, s28, s14, $0xb8;
	[tilespmem:$0xFF80] =	vst v63  }
0xd7: {  	s29 =	sadd.s32 $0x600, s19  }
0xd8: {  	[spmem:s3] =	stream.indirect.scatter.add.f32 [tilespmem:s10], [sflag:$0x1], $0x8, s29, s14, $0xb8;
	[tilespmem:$0xFF80] =	vst v63  }
0xd9: {  	s30 =	sadd.s32 $0x680, s19  }
0xda: {  	[spmem:s3] =	stream.indirect.scatter.add.f32 [tilespmem:s10], [sflag:$0x1], $0x8, s30, s14, $0xb8;
	[tilespmem:$0xFF80] =	vst v63  }
0xdb: {  	s31 =	sadd.s32 $0x700, s19  }
0xdc: {  	[spmem:s3] =	stream.indirect.scatter.add.f32 [tilespmem:s10], [sflag:$0x1], $0x8, s31, s14, $0xb8;
	[tilespmem:$0xFF80] =	vst v63  }
0xdd: {  	s19 =	sadd.s32 $0x780, s19  }
0xde: {  	[spmem:s3] =	stream.indirect.scatter.add.f32 [tilespmem:s10], [sflag:$0x1], $0x8, s19, s14, $0xb8;
	[tilespmem:$0xFF80] =	vst v63  }
0xdf: {  	_ =	swait.ge [sflag:s15], $0x400  }
0xe0: {  	[sflag:s15] =	ssyncset.done $0x0  }
0xe1: {  	[sflag:s15] =	ssyncadd.s32 $0xFFFFFC00  }
0xe2: {  	_ =	swait.ge [sflag:s15], $0x400  }
0xe3: {  	[sflag:s15] =	ssyncset.done $0x0  }
0xe4: {  	[sflag:s15] =	ssyncadd.s32 $0xFFFFFC00  }
0xe5: {  	_ =	swait.ge [sflag:s15], $0x400  }
0xe6: {  	[sflag:s15] =	ssyncset.done $0x0  }
0xe7: {  	[sflag:s15] =	ssyncadd.s32 $0xFFFFFC00  }
0xe8: {  	_ =	swait.ge [sflag:s15], $0x400  }
0xe9: {  	[sflag:s15] =	ssyncset.done $0x0  }
0xea: {  	[sflag:s15] =	ssyncadd.s32 $0xFFFFFC00  }
0xeb: {  	_ =	swait.ge [sflag:s15], $0x400  }
0xec: {  	[sflag:s15] =	ssyncset.done $0x0  }
0xed: {  	[sflag:s15] =	ssyncadd.s32 $0xFFFFFC00  }
0xee: {  	_ =	swait.ge [sflag:s15], $0x400  }
0xef: {  	[sflag:s15] =	ssyncset.done $0x0  }
0xf0: {  	[sflag:s15] =	ssyncadd.s32 $0xFFFFFC00  }
0xf1: {  	_ =	swait.ge [sflag:s15], $0x400  }
0xf2: {  	[sflag:s15] =	ssyncset.done $0x0  }
0xf3: {  	[sflag:s15] =	ssyncadd.s32 $0xFFFFFC00  }
0xf4: {  	_ =	swait.ge [sflag:s15], $0x400  }
0xf5: {  	[sflag:s15] =	ssyncset.done $0x0  }
0xf6: {  	[sflag:s15] =	ssyncadd.s32 $0xFFFFFC00  }
0xf7: {  	_ =	swait.ge [sflag:s15], $0x400  }
0xf8: {  	[sflag:s15] =	ssyncset.done $0x0  }
0xf9: {  	[sflag:s15] =	ssyncadd.s32 $0xFFFFFC00  }
0xfa: {  	_ =	swait.ge [sflag:s15], $0x400  }
0xfb: {  	[sflag:s15] =	ssyncset.done $0x0  }
0xfc: {  	[sflag:s15] =	ssyncadd.s32 $0xFFFFFC00  }
0xfd: {  	_ =	swait.ge [sflag:s15], $0x400  }
0xfe: {  	[sflag:s15] =	ssyncset.done $0x0  }
0xff: {  	[sflag:s15] =	ssyncadd.s32 $0xFFFFFC00  }
0x100: {  	_ =	swait.ge [sflag:s15], $0x400  }
0x101: {  	[sflag:s15] =	ssyncset.done $0x0  }
0x102: {  	[sflag:s15] =	ssyncadd.s32 $0xFFFFFC00  }
0x103: {  	_ =	swait.ge [sflag:s15], $0x400  }
0x104: {  	[sflag:s15] =	ssyncset.done $0x0  }
0x105: {  	[sflag:s15] =	ssyncadd.s32 $0xFFFFFC00  }
0x106: {  	_ =	swait.ge [sflag:s15], $0x400  }
0x107: {  	[sflag:s15] =	ssyncset.done $0x0  }
0x108: {  	s18 =	sadd.s32 $0x1, s18;
	[sflag:s15] =	ssyncadd.s32 $0xFFFFFC00  }
0x109: {  	p0 =	sne.s32 s18, $0x7;
	_ =	swait.ge [sflag:s15], $0x400  }
.Ltmp1:
0x10a: {  	[sflag:s15] =	ssyncset.done $0x0;
	(pc) =	sbr.rel @p0 .LBB2_2-.Ltmp1, $4  }
0x10b: {  	[sflag:s15] =	ssyncadd.s32 $0xFFFFFC00  }
0x10c: {  	_ =	swait.ge [sflag:s15], $0x400  }
0x10d: {  	[sflag:s15] =	ssyncset.done $0x0  }
0x10e: {  	[sflag:s15] =	ssyncadd.s32 $0xFFFFFC00  }
0x10f: {  	s17 =	sadd.s32 $0x1, s17  }
0x110: {  	p0 =	sne.s32 s17, s9  }
.Ltmp2:
0x111: {  	[bflag:$0x0] =	sbarrier.arrive $0xFFFF;
	(pc) =	sbr.rel @p0 .LBB2_1-.Ltmp2, $4  }
0x112: {  	[hbm:s8@s16], [sflag:s12] =	dma.strided [spmem:s13@s15], $0x1870, s15, $0x1   }
0x113: {  	_ =	swait.ge [sflag:s11], $0x1870  }
0x114: {  	[sflag:s11] =	ssyncset.done $0x0  }
0x115: {  	[sflag:s11] =	ssyncadd.s32 $0xFFFFE790  }
0x116: {  	_ =	sfence.sel $0x180000  }
0x117: {  	[bflag:$0x0] =	sbarrier.arrive $0xFFFF  }
0x118: {  	p0 =	sne.s32 s2, $0x0;
	_ =	strace $0x90000047  }
0x119: {  	s0 =	sadd.s32 @!p0 $0x100000, s0;
	[bflag:$0x2] =	sbarrier.arrive $0xFFFF  }
0x11a: {  	[sflag:s0] =	ssyncadd.tile.s32 @!p0 $0x1;
	_ =	shalt  }
.Lfunc_end2:
_tile_overlayer_lowered:
.L_overlay_start_2:
0x11b: {  	(tag) =	ssettag $0x2  }
0x11c: {  	s0 =	rddreg [dreg:$0x0];
	s2 =	stileid.u32  }
0x11d: {  	s1 =	rddreg [dreg:$0x1];
	p0 =	sne.s32 s2, $0x0  }
0x11e: {  	s3 =	rddreg [dreg:$0x2];
	[bflag:$0x3] =	sbarrier.arrive $0xFFFF;
	s2 =	simm.s32 @!p0 $0x1C02  }
0x11f: {  	[timem:s3], [sflag:s2] =	dma.local @!p0 [hbm:s0], s1  }
0x120: {  	s0 =	simm.s32 @!p0 $0x2  }
0x121: {  	_ =	swait.ge @!p0 [sflag:s0], s1  }
0x122: {  	s1 =	ssub.s32 @!p0 $0x0, s1;
	[sflag:s0] =	ssyncset.done @!p0 $0x0  }
0x123: {  	[sflag:s0] =	ssyncadd.s32 @!p0 s1  }
0x124: {  	[bflag:$0x3] =	sbarrier.arrive $0xFFFF  }
0x125: {  	_ =	shalt  }

</sc_bundles>
